<compile_context>
chip_gen: v7x
topology: tpu7x:2x2x1
jax: 0.10.2.dev20260603
libtpu: 0.0.44.dev20260713+nightly
codegen_flags: <defaults>
</compile_context>

<pallas_src>
import jax
import jax.numpy as jnp
from jax import lax
from jax.experimental import pallas as pl
from jax.experimental.pallas import tpu as pltpu
from jax.experimental.pallas import tpu_sc as plsc

_NC = 2
_NS = 16
_L = 16

_C = 96
_NBUF = 8


def _sc_gather(idx_hbm, x_hbm, out_hbm, idxf_v, sel_v, bufs, gsems, ssems,
               slabs_per_w, h, w):
    cid = lax.axis_index("c")
    sid = lax.axis_index("s")
    wid = sid * _NC + cid

    pltpu.sync_copy(idx_hbm, idxf_v)
    zeros = jnp.zeros((_L,), jnp.int32)
    for k in range(_C // _L):
        sel_v[pl.ds(_L * k, _L)] = zeros
    iota = lax.iota(jnp.int32, _L)
    ones = jnp.ones((_L,), jnp.int32)
    offset = zeros
    for k in range(_C // _L):
        v = idxf_v[pl.ds(_L * k, _L)]
        m = v != jnp.zeros((_L,), jnp.float32)
        mi = jnp.where(m, ones, zeros)
        pos = plsc.cumsum(mi) - ones + offset
        plsc.store_scatter(sel_v, [pos], iota + jnp.full((_L,), _L * k, jnp.int32), mask=m)
        offset = offset + lax.broadcast(jnp.sum(mi), (_L,))

    base_slab = wid * slabs_per_w
    hh = h // 4

    def src_dst(t):
        s_global = base_slab + t // 4
        half = t - (t // 4) * 4
        bi = s_global // _C
        j = s_global - bi * _C
        sel_vec = plsc.load_gather(sel_v, [lax.broadcast(j, (_L,))])
        sj = jnp.max(sel_vec)
        ro = half * hh
        return (x_hbm.at[pl.ds(bi, 1), pl.ds(sj, 1), pl.ds(ro, hh)],
                out_hbm.at[pl.ds(bi, 1), pl.ds(j, 1), pl.ds(ro, hh)])

    def outer(go, carry):
        for b in range(_NBUF):
            t = go * _NBUF + b
            src, _ = src_dst(t)

            @pl.when(go > 0)
            def _():
                pltpu.make_async_copy(
                    bufs[b], out_hbm.at[pl.ds(0, 1), pl.ds(0, 1), pl.ds(0, h // 4)], ssems[b]
                ).wait()

            pltpu.async_copy(src, bufs[b], gsems[b])
        for b in range(_NBUF):
            t = go * _NBUF + b
            _, dst = src_dst(t)
            pltpu.make_async_copy(
                x_hbm.at[pl.ds(0, 1), pl.ds(0, 1), pl.ds(0, h // 4)], bufs[b], gsems[b]
            ).wait()
            pltpu.async_copy(bufs[b], dst, ssems[b])
        return carry

    lax.fori_loop(0, 4 * slabs_per_w // _NBUF, outer, jnp.int32(0))
    for b in range(_NBUF):
        pltpu.make_async_copy(
            bufs[b], out_hbm.at[pl.ds(0, 1), pl.ds(0, 1), pl.ds(0, h // 4)], ssems[b]
        ).wait()


@jax.jit
def kernel(input_tensor, indexes):
    b, c, h, w = input_tensor.shape
    n_slabs = b * c
    n_workers = _NC * _NS
    slabs_per_w = n_slabs // n_workers

    mesh = plsc.VectorSubcoreMesh(
        core_axis_name="c", subcore_axis_name="s",
        num_cores=_NC, num_subcores=_NS,
    )

    def body(idx_hbm, x_hbm, out_hbm, idxf_v, sel_v, *rest):
        _sc_gather(idx_hbm, x_hbm, out_hbm, idxf_v, sel_v,
                   list(rest[0:_NBUF]), list(rest[_NBUF:2 * _NBUF]),
                   list(rest[2 * _NBUF:3 * _NBUF]), slabs_per_w, h, w)

    return pl.kernel(
        body,
        out_type=jax.ShapeDtypeStruct((b, c, h, w), jnp.float32),
        mesh=mesh,
        compiler_params=pltpu.CompilerParams(
            needs_layout_passes=False, use_tc_tiling_on_sc=True,
        ),
        scratch_types=(
            [pltpu.VMEM((c,), jnp.float32), pltpu.VMEM((c,), jnp.int32)]
            + [pltpu.VMEM((1, 1, h // 4, w), jnp.float32)] * _NBUF
            + [pltpu.SemaphoreType.DMA] * (2 * _NBUF)
        ),
    )(indexes, input_tensor)

# --- scband reference (transcript-rebuilt; emitter-appended) ---
"""Pipeline reference for scband-channel-selection-14293651161713 (READ-ONLY COPY).

The authoritative reference and input builder live on the scoring server;
editing this copy changes nothing except your own understanding.
"""

import jax, jax.numpy as jnp
import numpy as np


def setup_inputs(seed: int = 0) -> dict:
    key = jax.random.key(seed)
    input_tensor = jax.random.normal(key, (8, 96, 224, 224), dtype=jnp.float32)
    # learned parameter of channel_selection: all-ones vector of length num_channels
    indexes = jnp.ones((96,), dtype=jnp.float32)
    return {"input_tensor": input_tensor, "indexes": indexes}


def reference(input_tensor, indexes):
    # Faithful translation: find indices where the mask is nonzero,
    # then gather those channels along dim 1. The mask is all-ones, so the
    # nonzero count statically equals indexes.shape[0]; use fixed-size nonzero.
    selected_index = jnp.nonzero(indexes, size=indexes.shape[0])[0].astype(jnp.int32)
    output = jnp.take(input_tensor, selected_index, axis=1)
    return output

if __name__ == "__main__":
    import jax
    _d = setup_inputs()
    print(jax.jit(kernel)(*tuple(_d.values())))

</pallas_src>

<mosaic_0001>
#map = affine_map<(d0, d1) -> (0)>
#map1 = affine_map<(d0, d1) -> (0, 0, 0, 0)>
module attributes {stable_mosaic.version = 14 : i64} {
  func.func @body(%arg0: i32, %arg1: i32, %arg2: memref<96xf32, #tpu.memory_space<hbm>>, %arg3: memref<8x96x224x224xf32, #tpu.memory_space<hbm>>, %arg4: memref<8x96x224x224xf32, #tpu.memory_space<hbm>>, %arg5: memref<96xf32, #tpu.memory_space<vmem>>, %arg6: memref<96xi32, #tpu.memory_space<vmem>>, %arg7: memref<1x1x56x224xf32, #tpu.memory_space<vmem>>, %arg8: memref<1x1x56x224xf32, #tpu.memory_space<vmem>>, %arg9: memref<1x1x56x224xf32, #tpu.memory_space<vmem>>, %arg10: memref<1x1x56x224xf32, #tpu.memory_space<vmem>>, %arg11: memref<1x1x56x224xf32, #tpu.memory_space<vmem>>, %arg12: memref<1x1x56x224xf32, #tpu.memory_space<vmem>>, %arg13: memref<1x1x56x224xf32, #tpu.memory_space<vmem>>, %arg14: memref<1x1x56x224xf32, #tpu.memory_space<vmem>>, %arg15: memref<!tpu.dma_semaphore, #tpu.memory_space<semaphore_mem>>, %arg16: memref<!tpu.dma_semaphore, #tpu.memory_space<semaphore_mem>>, %arg17: memref<!tpu.dma_semaphore, #tpu.memory_space<semaphore_mem>>, %arg18: memref<!tpu.dma_semaphore, #tpu.memory_space<semaphore_mem>>, %arg19: memref<!tpu.dma_semaphore, #tpu.memory_space<semaphore_mem>>, %arg20: memref<!tpu.dma_semaphore, #tpu.memory_space<semaphore_mem>>, %arg21: memref<!tpu.dma_semaphore, #tpu.memory_space<semaphore_mem>>, %arg22: memref<!tpu.dma_semaphore, #tpu.memory_space<semaphore_mem>>, %arg23: memref<!tpu.dma_semaphore, #tpu.memory_space<semaphore_mem>>, %arg24: memref<!tpu.dma_semaphore, #tpu.memory_space<semaphore_mem>>, %arg25: memref<!tpu.dma_semaphore, #tpu.memory_space<semaphore_mem>>, %arg26: memref<!tpu.dma_semaphore, #tpu.memory_space<semaphore_mem>>, %arg27: memref<!tpu.dma_semaphore, #tpu.memory_space<semaphore_mem>>, %arg28: memref<!tpu.dma_semaphore, #tpu.memory_space<semaphore_mem>>, %arg29: memref<!tpu.dma_semaphore, #tpu.memory_space<semaphore_mem>>, %arg30: memref<!tpu.dma_semaphore, #tpu.memory_space<semaphore_mem>>) attributes {dimension_semantics = [#tpu.dimension_semantics<core_parallel>, #tpu.dimension_semantics<subcore_parallel>], iteration_bounds = array<i64: 2, 16>, scalar_prefetch = 0 : i64, scratch_operands = 26 : i64, tpu.core_type = #tpu.core_type<sc_vector_subcore>, window_params = [{transform_indices = #map}, {transform_indices = #map1}, {transform_indices = #map1}]} {
    %mul3A = arith.constant 2 : i32
    %mul3A_0 = arith.muli %arg1, %mul3A : i32
    %add3A = arith.addi %mul3A_0, %arg0 : i32
    "tpu.region"() ({
      %run_scoped3A = tpu.sem_alloc : memref<!tpu.dma_semaphore, #tpu.memory_space<semaphore_mem>>
      tpu.enqueue_dma source(%arg2 : memref<96xf32, #tpu.memory_space<hbm>>) target(%arg5 : memref<96xf32, #tpu.memory_space<vmem>>) target_semaphore(%run_scoped3A : memref<!tpu.dma_semaphore, #tpu.memory_space<semaphore_mem>>)
      tpu.wait_dma2 semaphore(%run_scoped3A : memref<!tpu.dma_semaphore, #tpu.memory_space<semaphore_mem>>) src(%arg2 : memref<96xf32, #tpu.memory_space<hbm>>) dst(%arg5 : memref<96xf32, #tpu.memory_space<vmem>>)
      tpu.yield
    }) : () -> ()
    %broadcast_in_dim3A = arith.constant 0 : i32
    %broadcast_in_dim3A_1 = vector.broadcast %broadcast_in_dim3A : i32 to vector<16xi32>
    %swap3A = arith.constant 0 : index
    %swap3A_2 = tpu.vector_load %arg6[%swap3A] {strides = array<i32>} : memref<96xi32, #tpu.memory_space<vmem>>, vector<16xi32>,
    tpu.vector_store %arg6[%swap3A], %broadcast_in_dim3A_1 {strides = array<i32>} : memref<96xi32, #tpu.memory_space<vmem>>, vector<16xi32>,
    %swap3A_3 = arith.constant 16 : index
    %swap3A_4 = tpu.vector_load %arg6[%swap3A_3] {strides = array<i32>} : memref<96xi32, #tpu.memory_space<vmem>>, vector<16xi32>,
    tpu.vector_store %arg6[%swap3A_3], %broadcast_in_dim3A_1 {strides = array<i32>} : memref<96xi32, #tpu.memory_space<vmem>>, vector<16xi32>,
    %swap3A_5 = arith.constant 32 : index
    %swap3A_6 = tpu.vector_load %arg6[%swap3A_5] {strides = array<i32>} : memref<96xi32, #tpu.memory_space<vmem>>, vector<16xi32>,
    tpu.vector_store %arg6[%swap3A_5], %broadcast_in_dim3A_1 {strides = array<i32>} : memref<96xi32, #tpu.memory_space<vmem>>, vector<16xi32>,
    %swap3A_7 = arith.constant 48 : index
    %swap3A_8 = tpu.vector_load %arg6[%swap3A_7] {strides = array<i32>} : memref<96xi32, #tpu.memory_space<vmem>>, vector<16xi32>,
    tpu.vector_store %arg6[%swap3A_7], %broadcast_in_dim3A_1 {strides = array<i32>} : memref<96xi32, #tpu.memory_space<vmem>>, vector<16xi32>,
    %swap3A_9 = arith.constant 64 : index
    %swap3A_10 = tpu.vector_load %arg6[%swap3A_9] {strides = array<i32>} : memref<96xi32, #tpu.memory_space<vmem>>, vector<16xi32>,
    tpu.vector_store %arg6[%swap3A_9], %broadcast_in_dim3A_1 {strides = array<i32>} : memref<96xi32, #tpu.memory_space<vmem>>, vector<16xi32>,
    %swap3A_11 = arith.constant 80 : index
    %swap3A_12 = tpu.vector_load %arg6[%swap3A_11] {strides = array<i32>} : memref<96xi32, #tpu.memory_space<vmem>>, vector<16xi32>,
    tpu.vector_store %arg6[%swap3A_11], %broadcast_in_dim3A_1 {strides = array<i32>} : memref<96xi32, #tpu.memory_space<vmem>>, vector<16xi32>,
    %iota3A = tpu.iota {dimensions = array<i32: 0>} : vector<16xi32>
    %broadcast_in_dim3A_13 = arith.constant 1 : i32
    %broadcast_in_dim3A_14 = vector.broadcast %broadcast_in_dim3A_13 : i32 to vector<16xi32>
    %get3A = arith.constant 0 : index
    %get3A_15 = tpu.vector_load %arg5[%get3A] {strides = array<i32>} : memref<96xf32, #tpu.memory_space<vmem>>, vector<16xf32>,
    %broadcast_in_dim3A_16 = arith.constant 0.000000e+00 : f32
    %broadcast_in_dim3A_17 = vector.broadcast %broadcast_in_dim3A_16 : f32 to vector<16xf32>
    %ne3A = arith.cmpf one, %get3A_15, %broadcast_in_dim3A_17 : vector<16xf32>
    %select_n3A = arith.select %ne3A, %broadcast_in_dim3A_14, %broadcast_in_dim3A_1 : vector<16xi1>, vector<16xi32>
    %broadcast_in_dim3A_18 = arith.constant true
    %broadcast_in_dim3A_19 = vector.broadcast %broadcast_in_dim3A_18 : i1 to vector<16xi1>
    %masked_cumsum3A = tpu.scan <sum>, %select_n3A masked %broadcast_in_dim3A_19 : vector<16xi32>, vector<16xi1> -> vector<16xi32>
    %sub3A = arith.subi %masked_cumsum3A, %broadcast_in_dim3A_14 : vector<16xi32>
    %add3A_20 = arith.addi %sub3A, %broadcast_in_dim3A_1 : vector<16xi32>
    %broadcast_in_dim3A_21 = arith.constant 0 : i32
    %broadcast_in_dim3A_22 = vector.broadcast %broadcast_in_dim3A_21 : i32 to vector<16xi32>
    %add3A_23 = arith.addi %iota3A, %broadcast_in_dim3A_22 : vector<16xi32>
    tpu.vector_store_idx %arg6[%add3A_20], %add3A_23 masked %ne3A : memref<96xi32, #tpu.memory_space<vmem>>[vector<16xi32>], vector<16xi32>, vector<16xi1>
    %reduce_sum3A = arith.constant true
    %reduce_sum3A_24 = vector.broadcast %reduce_sum3A : i1 to vector<16xi1>
    %reduce_sum3A_25 = tpu.scan <sum>, %select_n3A masked %reduce_sum3A_24 : vector<16xi32>, vector<16xi1> -> vector<16xi32>
    %reduce_sum3A_26 = vector.extract %reduce_sum3A_25[15] : i32 from vector<16xi32>
    %broadcast_in_dim3A_27 = vector.broadcast %reduce_sum3A_26 : i32 to vector<16xi32>
    %add3A_28 = arith.addi %broadcast_in_dim3A_1, %broadcast_in_dim3A_27 : vector<16xi32>
    %get3A_29 = arith.constant 16 : index
    %get3A_30 = tpu.vector_load %arg5[%get3A_29] {strides = array<i32>} : memref<96xf32, #tpu.memory_space<vmem>>, vector<16xf32>,
    %broadcast_in_dim3A_31 = arith.constant 0.000000e+00 : f32
    %broadcast_in_dim3A_32 = vector.broadcast %broadcast_in_dim3A_31 : f32 to vector<16xf32>
    %ne3A_33 = arith.cmpf one, %get3A_30, %broadcast_in_dim3A_32 : vector<16xf32>
    %select_n3A_34 = arith.select %ne3A_33, %broadcast_in_dim3A_14, %broadcast_in_dim3A_1 : vector<16xi1>, vector<16xi32>
    %broadcast_in_dim3A_35 = arith.constant true
    %broadcast_in_dim3A_36 = vector.broadcast %broadcast_in_dim3A_35 : i1 to vector<16xi1>
    %masked_cumsum3A_37 = tpu.scan <sum>, %select_n3A_34 masked %broadcast_in_dim3A_36 : vector<16xi32>, vector<16xi1> -> vector<16xi32>
    %sub3A_38 = arith.subi %masked_cumsum3A_37, %broadcast_in_dim3A_14 : vector<16xi32>
    %add3A_39 = arith.addi %sub3A_38, %add3A_28 : vector<16xi32>
    %broadcast_in_dim3A_40 = arith.constant 16 : i32
    %broadcast_in_dim3A_41 = vector.broadcast %broadcast_in_dim3A_40 : i32 to vector<16xi32>
    %add3A_42 = arith.addi %iota3A, %broadcast_in_dim3A_41 : vector<16xi32>
    tpu.vector_store_idx %arg6[%add3A_39], %add3A_42 masked %ne3A_33 : memref<96xi32, #tpu.memory_space<vmem>>[vector<16xi32>], vector<16xi32>, vector<16xi1>
    %reduce_sum3A_43 = arith.constant true
    %reduce_sum3A_44 = vector.broadcast %reduce_sum3A_43 : i1 to vector<16xi1>
    %reduce_sum3A_45 = tpu.scan <sum>, %select_n3A_34 masked %reduce_sum3A_44 : vector<16xi32>, vector<16xi1> -> vector<16xi32>
    %reduce_sum3A_46 = vector.extract %reduce_sum3A_45[15] : i32 from vector<16xi32>
    %broadcast_in_dim3A_47 = vector.broadcast %reduce_sum3A_46 : i32 to vector<16xi32>
    %add3A_48 = arith.addi %add3A_28, %broadcast_in_dim3A_47 : vector<16xi32>
    %get3A_49 = arith.constant 32 : index
    %get3A_50 = tpu.vector_load %arg5[%get3A_49] {strides = array<i32>} : memref<96xf32, #tpu.memory_space<vmem>>, vector<16xf32>,
    %broadcast_in_dim3A_51 = arith.constant 0.000000e+00 : f32
    %broadcast_in_dim3A_52 = vector.broadcast %broadcast_in_dim3A_51 : f32 to vector<16xf32>
    %ne3A_53 = arith.cmpf one, %get3A_50, %broadcast_in_dim3A_52 : vector<16xf32>
    %select_n3A_54 = arith.select %ne3A_53, %broadcast_in_dim3A_14, %broadcast_in_dim3A_1 : vector<16xi1>, vector<16xi32>
    %broadcast_in_dim3A_55 = arith.constant true
    %broadcast_in_dim3A_56 = vector.broadcast %broadcast_in_dim3A_55 : i1 to vector<16xi1>
    %masked_cumsum3A_57 = tpu.scan <sum>, %select_n3A_54 masked %broadcast_in_dim3A_56 : vector<16xi32>, vector<16xi1> -> vector<16xi32>
    %sub3A_58 = arith.subi %masked_cumsum3A_57, %broadcast_in_dim3A_14 : vector<16xi32>
    %add3A_59 = arith.addi %sub3A_58, %add3A_48 : vector<16xi32>
    %broadcast_in_dim3A_60 = arith.constant 32 : i32
    %broadcast_in_dim3A_61 = vector.broadcast %broadcast_in_dim3A_60 : i32 to vector<16xi32>
    %add3A_62 = arith.addi %iota3A, %broadcast_in_dim3A_61 : vector<16xi32>
    tpu.vector_store_idx %arg6[%add3A_59], %add3A_62 masked %ne3A_53 : memref<96xi32, #tpu.memory_space<vmem>>[vector<16xi32>], vector<16xi32>, vector<16xi1>
    %reduce_sum3A_63 = arith.constant true
    %reduce_sum3A_64 = vector.broadcast %reduce_sum3A_63 : i1 to vector<16xi1>
    %reduce_sum3A_65 = tpu.scan <sum>, %select_n3A_54 masked %reduce_sum3A_64 : vector<16xi32>, vector<16xi1> -> vector<16xi32>
    %reduce_sum3A_66 = vector.extract %reduce_sum3A_65[15] : i32 from vector<16xi32>
    %broadcast_in_dim3A_67 = vector.broadcast %reduce_sum3A_66 : i32 to vector<16xi32>
    %add3A_68 = arith.addi %add3A_48, %broadcast_in_dim3A_67 : vector<16xi32>
    %get3A_69 = arith.constant 48 : index
    %get3A_70 = tpu.vector_load %arg5[%get3A_69] {strides = array<i32>} : memref<96xf32, #tpu.memory_space<vmem>>, vector<16xf32>,
    %broadcast_in_dim3A_71 = arith.constant 0.000000e+00 : f32
    %broadcast_in_dim3A_72 = vector.broadcast %broadcast_in_dim3A_71 : f32 to vector<16xf32>
    %ne3A_73 = arith.cmpf one, %get3A_70, %broadcast_in_dim3A_72 : vector<16xf32>
    %select_n3A_74 = arith.select %ne3A_73, %broadcast_in_dim3A_14, %broadcast_in_dim3A_1 : vector<16xi1>, vector<16xi32>
    %broadcast_in_dim3A_75 = arith.constant true
    %broadcast_in_dim3A_76 = vector.broadcast %broadcast_in_dim3A_75 : i1 to vector<16xi1>
    %masked_cumsum3A_77 = tpu.scan <sum>, %select_n3A_74 masked %broadcast_in_dim3A_76 : vector<16xi32>, vector<16xi1> -> vector<16xi32>
    %sub3A_78 = arith.subi %masked_cumsum3A_77, %broadcast_in_dim3A_14 : vector<16xi32>
    %add3A_79 = arith.addi %sub3A_78, %add3A_68 : vector<16xi32>
    %broadcast_in_dim3A_80 = arith.constant 48 : i32
    %broadcast_in_dim3A_81 = vector.broadcast %broadcast_in_dim3A_80 : i32 to vector<16xi32>
    %add3A_82 = arith.addi %iota3A, %broadcast_in_dim3A_81 : vector<16xi32>
    tpu.vector_store_idx %arg6[%add3A_79], %add3A_82 masked %ne3A_73 : memref<96xi32, #tpu.memory_space<vmem>>[vector<16xi32>], vector<16xi32>, vector<16xi1>
    %reduce_sum3A_83 = arith.constant true
    %reduce_sum3A_84 = vector.broadcast %reduce_sum3A_83 : i1 to vector<16xi1>
    %reduce_sum3A_85 = tpu.scan <sum>, %select_n3A_74 masked %reduce_sum3A_84 : vector<16xi32>, vector<16xi1> -> vector<16xi32>
    %reduce_sum3A_86 = vector.extract %reduce_sum3A_85[15] : i32 from vector<16xi32>
    %broadcast_in_dim3A_87 = vector.broadcast %reduce_sum3A_86 : i32 to vector<16xi32>
    %add3A_88 = arith.addi %add3A_68, %broadcast_in_dim3A_87 : vector<16xi32>
    %get3A_89 = arith.constant 64 : index
    %get3A_90 = tpu.vector_load %arg5[%get3A_89] {strides = array<i32>} : memref<96xf32, #tpu.memory_space<vmem>>, vector<16xf32>,
    %broadcast_in_dim3A_91 = arith.constant 0.000000e+00 : f32
    %broadcast_in_dim3A_92 = vector.broadcast %broadcast_in_dim3A_91 : f32 to vector<16xf32>
    %ne3A_93 = arith.cmpf one, %get3A_90, %broadcast_in_dim3A_92 : vector<16xf32>
    %select_n3A_94 = arith.select %ne3A_93, %broadcast_in_dim3A_14, %broadcast_in_dim3A_1 : vector<16xi1>, vector<16xi32>
    %broadcast_in_dim3A_95 = arith.constant true
    %broadcast_in_dim3A_96 = vector.broadcast %broadcast_in_dim3A_95 : i1 to vector<16xi1>
    %masked_cumsum3A_97 = tpu.scan <sum>, %select_n3A_94 masked %broadcast_in_dim3A_96 : vector<16xi32>, vector<16xi1> -> vector<16xi32>
    %sub3A_98 = arith.subi %masked_cumsum3A_97, %broadcast_in_dim3A_14 : vector<16xi32>
    %add3A_99 = arith.addi %sub3A_98, %add3A_88 : vector<16xi32>
    %broadcast_in_dim3A_100 = arith.constant 64 : i32
    %broadcast_in_dim3A_101 = vector.broadcast %broadcast_in_dim3A_100 : i32 to vector<16xi32>
    %add3A_102 = arith.addi %iota3A, %broadcast_in_dim3A_101 : vector<16xi32>
    tpu.vector_store_idx %arg6[%add3A_99], %add3A_102 masked %ne3A_93 : memref<96xi32, #tpu.memory_space<vmem>>[vector<16xi32>], vector<16xi32>, vector<16xi1>
    %reduce_sum3A_103 = arith.constant true
    %reduce_sum3A_104 = vector.broadcast %reduce_sum3A_103 : i1 to vector<16xi1>
    %reduce_sum3A_105 = tpu.scan <sum>, %select_n3A_94 masked %reduce_sum3A_104 : vector<16xi32>, vector<16xi1> -> vector<16xi32>
    %reduce_sum3A_106 = vector.extract %reduce_sum3A_105[15] : i32 from vector<16xi32>
    %broadcast_in_dim3A_107 = vector.broadcast %reduce_sum3A_106 : i32 to vector<16xi32>
    %add3A_108 = arith.addi %add3A_88, %broadcast_in_dim3A_107 : vector<16xi32>
    %get3A_109 = arith.constant 80 : index
    %get3A_110 = tpu.vector_load %arg5[%get3A_109] {strides = array<i32>} : memref<96xf32, #tpu.memory_space<vmem>>, vector<16xf32>,
    %broadcast_in_dim3A_111 = arith.constant 0.000000e+00 : f32
    %broadcast_in_dim3A_112 = vector.broadcast %broadcast_in_dim3A_111 : f32 to vector<16xf32>
    %ne3A_113 = arith.cmpf one, %get3A_110, %broadcast_in_dim3A_112 : vector<16xf32>
    %select_n3A_114 = arith.select %ne3A_113, %broadcast_in_dim3A_14, %broadcast_in_dim3A_1 : vector<16xi1>, vector<16xi32>
    %broadcast_in_dim3A_115 = arith.constant true
    %broadcast_in_dim3A_116 = vector.broadcast %broadcast_in_dim3A_115 : i1 to vector<16xi1>
    %masked_cumsum3A_117 = tpu.scan <sum>, %select_n3A_114 masked %broadcast_in_dim3A_116 : vector<16xi32>, vector<16xi1> -> vector<16xi32>
    %sub3A_118 = arith.subi %masked_cumsum3A_117, %broadcast_in_dim3A_14 : vector<16xi32>
    %add3A_119 = arith.addi %sub3A_118, %add3A_108 : vector<16xi32>
    %broadcast_in_dim3A_120 = arith.constant 80 : i32
    %broadcast_in_dim3A_121 = vector.broadcast %broadcast_in_dim3A_120 : i32 to vector<16xi32>
    %add3A_122 = arith.addi %iota3A, %broadcast_in_dim3A_121 : vector<16xi32>
    tpu.vector_store_idx %arg6[%add3A_119], %add3A_122 masked %ne3A_113 : memref<96xi32, #tpu.memory_space<vmem>>[vector<16xi32>], vector<16xi32>, vector<16xi1>
    %reduce_sum3A_123 = arith.constant true
    %reduce_sum3A_124 = vector.broadcast %reduce_sum3A_123 : i1 to vector<16xi1>
    %reduce_sum3A_125 = tpu.scan <sum>, %select_n3A_114 masked %reduce_sum3A_124 : vector<16xi32>, vector<16xi1> -> vector<16xi32>
    %reduce_sum3A_126 = vector.extract %reduce_sum3A_125[15] : i32 from vector<16xi32>
    %broadcast_in_dim3A_127 = vector.broadcast %reduce_sum3A_126 : i32 to vector<16xi32>
    %add3A_128 = arith.addi %add3A_108, %broadcast_in_dim3A_127 : vector<16xi32>
    %mul3A_129 = arith.constant 24 : i32
    %mul3A_130 = arith.muli %add3A, %mul3A_129 : i32
    %scan3A = arith.constant 0 : i32
    %scan3A_131 = arith.constant 0 : i32
    %scan3A_132 = arith.constant 12 : i32
    %scan3A_133 = arith.addi %scan3A_131, %scan3A_132 : i32
    %scan3A_134 = arith.constant 1 : i32
    scf.for %scan3A_215 = %scan3A_131 to %scan3A_133 step %scan3A_134  : i32 {
      %mul3A_216 = arith.constant 8 : i32
      %mul3A_217 = arith.muli %scan3A_215, %mul3A_216 : i32
      %add3A_218 = arith.constant 0 : i32
      %add3A_219 = arith.addi %mul3A_217, %add3A_218 : i32
      %jit3A = arith.constant 4 : i32
      %div3A = arith.divsi %add3A_219, %jit3A : i32
      %sign3A = arith.constant 0 : i32
      %sign3A_220 = arith.cmpi sgt, %add3A_219, %sign3A : i32
      %sign3A_221 = arith.extui %sign3A_220 : i1 to i32
      %sign3A_222 = arith.constant 0 : i32
      %sign3A_223 = arith.cmpi slt, %add3A_219, %sign3A_222 : i32
      %sign3A_224 = arith.extui %sign3A_223 : i1 to i32
      %sign3A_225 = arith.subi %sign3A_221, %sign3A_224 : i32
      %sign3A_226 = arith.constant 0 : i32
      %sign3A_227 = arith.cmpi sgt, %jit3A, %sign3A_226 : i32
      %sign3A_228 = arith.extui %sign3A_227 : i1 to i32
      %sign3A_229 = arith.constant 0 : i32
      %sign3A_230 = arith.cmpi slt, %jit3A, %sign3A_229 : i32
      %sign3A_231 = arith.extui %sign3A_230 : i1 to i32
      %sign3A_232 = arith.subi %sign3A_228, %sign3A_231 : i32
      %ne3A_233 = arith.cmpi ne, %sign3A_225, %sign3A_232 : i32
      %rem3A = arith.remsi %add3A_219, %jit3A : i32
      %ne3A_234 = arith.constant 0 : i32
      %ne3A_235 = arith.cmpi ne, %rem3A, %ne3A_234 : i32
      %and3A = arith.andi %ne3A_233, %ne3A_235 : i1
      %sub3A_236 = arith.constant 1 : i32
      %sub3A_237 = arith.subi %div3A, %sub3A_236 : i32
      %select_n3A_238 = arith.select %and3A, %sub3A_237, %div3A : i32
      %add3A_239 = arith.addi %mul3A_130, %select_n3A_238 : i32
      %jit3A_240 = arith.constant 4 : i32
      %div3A_241 = arith.divsi %add3A_219, %jit3A_240 : i32
      %sign3A_242 = arith.constant 0 : i32
      %sign3A_243 = arith.cmpi sgt, %add3A_219, %sign3A_242 : i32
      %sign3A_244 = arith.extui %sign3A_243 : i1 to i32
      %sign3A_245 = arith.constant 0 : i32
      %sign3A_246 = arith.cmpi slt, %add3A_219, %sign3A_245 : i32
      %sign3A_247 = arith.extui %sign3A_246 : i1 to i32
      %sign3A_248 = arith.subi %sign3A_244, %sign3A_247 : i32
      %sign3A_249 = arith.constant 0 : i32
      %sign3A_250 = arith.cmpi sgt, %jit3A_240, %sign3A_249 : i32
      %sign3A_251 = arith.extui %sign3A_250 : i1 to i32
      %sign3A_252 = arith.constant 0 : i32
      %sign3A_253 = arith.cmpi slt, %jit3A_240, %sign3A_252 : i32
      %sign3A_254 = arith.extui %sign3A_253 : i1 to i32
      %sign3A_255 = arith.subi %sign3A_251, %sign3A_254 : i32
      %ne3A_256 = arith.cmpi ne, %sign3A_248, %sign3A_255 : i32
      %rem3A_257 = arith.remsi %add3A_219, %jit3A_240 : i32
      %ne3A_258 = arith.constant 0 : i32
      %ne3A_259 = arith.cmpi ne, %rem3A_257, %ne3A_258 : i32
      %and3A_260 = arith.andi %ne3A_256, %ne3A_259 : i1
      %sub3A_261 = arith.constant 1 : i32
      %sub3A_262 = arith.subi %div3A_241, %sub3A_261 : i32
      %select_n3A_263 = arith.select %and3A_260, %sub3A_262, %div3A_241 : i32
      %mul3A_264 = arith.constant 4 : i32
      %mul3A_265 = arith.muli %select_n3A_263, %mul3A_264 : i32
      %sub3A_266 = arith.subi %add3A_219, %mul3A_265 : i32
      %jit3A_267 = arith.constant 96 : i32
      %div3A_268 = arith.divsi %add3A_239, %jit3A_267 : i32
      %sign3A_269 = arith.constant 0 : i32
      %sign3A_270 = arith.cmpi sgt, %add3A_239, %sign3A_269 : i32
      %sign3A_271 = arith.extui %sign3A_270 : i1 to i32
      %sign3A_272 = arith.constant 0 : i32
      %sign3A_273 = arith.cmpi slt, %add3A_239, %sign3A_272 : i32
      %sign3A_274 = arith.extui %sign3A_273 : i1 to i32
      %sign3A_275 = arith.subi %sign3A_271, %sign3A_274 : i32
      %sign3A_276 = arith.constant 0 : i32
      %sign3A_277 = arith.cmpi sgt, %jit3A_267, %sign3A_276 : i32
      %sign3A_278 = arith.extui %sign3A_277 : i1 to i32
      %sign3A_279 = arith.constant 0 : i32
      %sign3A_280 = arith.cmpi slt, %jit3A_267, %sign3A_279 : i32
      %sign3A_281 = arith.extui %sign3A_280 : i1 to i32
      %sign3A_282 = arith.subi %sign3A_278, %sign3A_281 : i32
      %ne3A_283 = arith.cmpi ne, %sign3A_275, %sign3A_282 : i32
      %rem3A_284 = arith.remsi %add3A_239, %jit3A_267 : i32
      %ne3A_285 = arith.constant 0 : i32
      %ne3A_286 = arith.cmpi ne, %rem3A_284, %ne3A_285 : i32
      %and3A_287 = arith.andi %ne3A_283, %ne3A_286 : i1
      %sub3A_288 = arith.constant 1 : i32
      %sub3A_289 = arith.subi %div3A_268, %sub3A_288 : i32
      %select_n3A_290 = arith.select %and3A_287, %sub3A_289, %div3A_268 : i32
      %mul3A_291 = arith.constant 96 : i32
      %mul3A_292 = arith.muli %select_n3A_290, %mul3A_291 : i32
      %sub3A_293 = arith.subi %add3A_239, %mul3A_292 : i32
      %broadcast_in_dim3A_294 = vector.broadcast %sub3A_293 : i32 to vector<16xi32>
      %gather3A = tpu.vector_load_idx %arg6[%broadcast_in_dim3A_294] : memref<96xi32, #tpu.memory_space<vmem>>[vector<16xi32>], vector<16xi32>,
      %reduce_max3A = arith.constant true
      %reduce_max3A_295 = vector.broadcast %reduce_max3A : i1 to vector<16xi1>
      %reduce_max3A_296 = arith.constant -2147483648 : i32
      %reduce_max3A_297 = vector.broadcast %reduce_max3A_296 : i32 to vector<16xi32>
      %reduce_max3A_298 = arith.xori %gather3A, %reduce_max3A_297 : vector<16xi32>
      %reduce_max3A_299 = tpu.scan <max>, %reduce_max3A_298 masked %reduce_max3A_295 : vector<16xi32>, vector<16xi1> -> vector<16xi32>
      %reduce_max3A_300 = arith.xori %reduce_max3A_299, %reduce_max3A_297 : vector<16xi32>
      %reduce_max3A_301 = vector.extract %reduce_max3A_300[15] : i32 from vector<16xi32>
      %mul3A_302 = arith.constant 56 : i32
      %mul3A_303 = arith.muli %sub3A_266, %mul3A_302 : i32
      %gt3A = arith.constant 0 : i32
      %gt3A_304 = arith.cmpi sgt, %scan3A_215, %gt3A : i32
      %convert_element_type3A = arith.extui %gt3A_304 : i1 to i32
      %cond3A = arith.constant 0 : i32
      %cond3A_305 = arith.cmpi ne, %convert_element_type3A, %cond3A : i32
      scf.if %cond3A_305 {
        %dma_wait3A_1909 = arith.constant 0 : i32
        %dma_wait3A_1910 = arith.constant 0 : i32
        %dma_wait3A_1911 = arith.constant 0 : i32
        %dma_wait3A_1912 = arith.constant 0 : i32
        %dma_wait3A_1913 = tpu.memref_slice %arg4[%dma_wait3A_1909, %dma_wait3A_1910, %dma_wait3A_1911, %dma_wait3A_1912] : memref<8x96x224x224xf32, #tpu.memory_space<hbm>> -> memref<1x1x56x224xf32, #tpu.memory_space<hbm>>
        %dma_wait3A_1914 = arith.constant 0 : i32
        %dma_wait3A_1915 = arith.constant 0 : i32
        %dma_wait3A_1916 = arith.constant 0 : i32
        %dma_wait3A_1917 = arith.constant 0 : i32
        %dma_wait3A_1918 = tpu.memref_slice %arg4[%dma_wait3A_1914, %dma_wait3A_1915, %dma_wait3A_1916, %dma_wait3A_1917] : memref<8x96x224x224xf32, #tpu.memory_space<hbm>> -> memref<1x1x56x224xf32, #tpu.memory_space<hbm>>
        tpu.wait_dma2 semaphore(%arg23 : memref<!tpu.dma_semaphore, #tpu.memory_space<semaphore_mem>>) src(%arg7 : memref<1x1x56x224xf32, #tpu.memory_space<vmem>>) dst(%dma_wait3A_1918 : memref<1x1x56x224xf32, #tpu.memory_space<hbm>>)
      } else {
      }
      %dma_start3A = arith.constant 0 : i32
      %dma_start3A_306 = tpu.memref_slice %arg3[%select_n3A_290, %reduce_max3A_301, %mul3A_303, %dma_start3A] : memref<8x96x224x224xf32, #tpu.memory_space<hbm>> -> memref<1x1x56x224xf32, #tpu.memory_space<hbm>>
      %dma_start3A_307 = arith.constant 0 : i32
      %dma_start3A_308 = tpu.memref_slice %arg3[%select_n3A_290, %reduce_max3A_301, %mul3A_303, %dma_start3A_307] : memref<8x96x224x224xf32, #tpu.memory_space<hbm>> -> memref<1x1x56x224xf32, #tpu.memory_space<hbm>>
      tpu.enqueue_dma source(%dma_start3A_308 : memref<1x1x56x224xf32, #tpu.memory_space<hbm>>) target(%arg7 : memref<1x1x56x224xf32, #tpu.memory_space<vmem>>) target_semaphore(%arg15 : memref<!tpu.dma_semaphore, #tpu.memory_space<semaphore_mem>>)
      %mul3A_309 = arith.constant 8 : i32
      %mul3A_310 = arith.muli %scan3A_215, %mul3A_309 : i32
      %add3A_311 = arith.constant 1 : i32
      %add3A_312 = arith.addi %mul3A_310, %add3A_311 : i32
      %jit3A_313 = arith.constant 4 : i32
      %div3A_314 = arith.divsi %add3A_312, %jit3A_313 : i32
      %sign3A_315 = arith.constant 0 : i32
      %sign3A_316 = arith.cmpi sgt, %add3A_312, %sign3A_315 : i32
      %sign3A_317 = arith.extui %sign3A_316 : i1 to i32
      %sign3A_318 = arith.constant 0 : i32
      %sign3A_319 = arith.cmpi slt, %add3A_312, %sign3A_318 : i32
      %sign3A_320 = arith.extui %sign3A_319 : i1 to i32
      %sign3A_321 = arith.subi %sign3A_317, %sign3A_320 : i32
      %sign3A_322 = arith.constant 0 : i32
      %sign3A_323 = arith.cmpi sgt, %jit3A_313, %sign3A_322 : i32
      %sign3A_324 = arith.extui %sign3A_323 : i1 to i32
      %sign3A_325 = arith.constant 0 : i32
      %sign3A_326 = arith.cmpi slt, %jit3A_313, %sign3A_325 : i32
      %sign3A_327 = arith.extui %sign3A_326 : i1 to i32
      %sign3A_328 = arith.subi %sign3A_324, %sign3A_327 : i32
      %ne3A_329 = arith.cmpi ne, %sign3A_321, %sign3A_328 : i32
      %rem3A_330 = arith.remsi %add3A_312, %jit3A_313 : i32
      %ne3A_331 = arith.constant 0 : i32
      %ne3A_332 = arith.cmpi ne, %rem3A_330, %ne3A_331 : i32
      %and3A_333 = arith.andi %ne3A_329, %ne3A_332 : i1
      %sub3A_334 = arith.constant 1 : i32
      %sub3A_335 = arith.subi %div3A_314, %sub3A_334 : i32
      %select_n3A_336 = arith.select %and3A_333, %sub3A_335, %div3A_314 : i32
      %add3A_337 = arith.addi %mul3A_130, %select_n3A_336 : i32
      %jit3A_338 = arith.constant 4 : i32
      %div3A_339 = arith.divsi %add3A_312, %jit3A_338 : i32
      %sign3A_340 = arith.constant 0 : i32
      %sign3A_341 = arith.cmpi sgt, %add3A_312, %sign3A_340 : i32
      %sign3A_342 = arith.extui %sign3A_341 : i1 to i32
      %sign3A_343 = arith.constant 0 : i32
      %sign3A_344 = arith.cmpi slt, %add3A_312, %sign3A_343 : i32
      %sign3A_345 = arith.extui %sign3A_344 : i1 to i32
      %sign3A_346 = arith.subi %sign3A_342, %sign3A_345 : i32
      %sign3A_347 = arith.constant 0 : i32
      %sign3A_348 = arith.cmpi sgt, %jit3A_338, %sign3A_347 : i32
      %sign3A_349 = arith.extui %sign3A_348 : i1 to i32
      %sign3A_350 = arith.constant 0 : i32
      %sign3A_351 = arith.cmpi slt, %jit3A_338, %sign3A_350 : i32
      %sign3A_352 = arith.extui %sign3A_351 : i1 to i32
      %sign3A_353 = arith.subi %sign3A_349, %sign3A_352 : i32
      %ne3A_354 = arith.cmpi ne, %sign3A_346, %sign3A_353 : i32
      %rem3A_355 = arith.remsi %add3A_312, %jit3A_338 : i32
      %ne3A_356 = arith.constant 0 : i32
      %ne3A_357 = arith.cmpi ne, %rem3A_355, %ne3A_356 : i32
      %and3A_358 = arith.andi %ne3A_354, %ne3A_357 : i1
      %sub3A_359 = arith.constant 1 : i32
      %sub3A_360 = arith.subi %div3A_339, %sub3A_359 : i32
      %select_n3A_361 = arith.select %and3A_358, %sub3A_360, %div3A_339 : i32
      %mul3A_362 = arith.constant 4 : i32
      %mul3A_363 = arith.muli %select_n3A_361, %mul3A_362 : i32
      %sub3A_364 = arith.subi %add3A_312, %mul3A_363 : i32
      %jit3A_365 = arith.constant 96 : i32
      %div3A_366 = arith.divsi %add3A_337, %jit3A_365 : i32
      %sign3A_367 = arith.constant 0 : i32
      %sign3A_368 = arith.cmpi sgt, %add3A_337, %sign3A_367 : i32
      %sign3A_369 = arith.extui %sign3A_368 : i1 to i32
      %sign3A_370 = arith.constant 0 : i32
      %sign3A_371 = arith.cmpi slt, %add3A_337, %sign3A_370 : i32
      %sign3A_372 = arith.extui %sign3A_371 : i1 to i32
      %sign3A_373 = arith.subi %sign3A_369, %sign3A_372 : i32
      %sign3A_374 = arith.constant 0 : i32
      %sign3A_375 = arith.cmpi sgt, %jit3A_365, %sign3A_374 : i32
      %sign3A_376 = arith.extui %sign3A_375 : i1 to i32
      %sign3A_377 = arith.constant 0 : i32
      %sign3A_378 = arith.cmpi slt, %jit3A_365, %sign3A_377 : i32
      %sign3A_379 = arith.extui %sign3A_378 : i1 to i32
      %sign3A_380 = arith.subi %sign3A_376, %sign3A_379 : i32
      %ne3A_381 = arith.cmpi ne, %sign3A_373, %sign3A_380 : i32
      %rem3A_382 = arith.remsi %add3A_337, %jit3A_365 : i32
      %ne3A_383 = arith.constant 0 : i32
      %ne3A_384 = arith.cmpi ne, %rem3A_382, %ne3A_383 : i32
      %and3A_385 = arith.andi %ne3A_381, %ne3A_384 : i1
      %sub3A_386 = arith.constant 1 : i32
      %sub3A_387 = arith.subi %div3A_366, %sub3A_386 : i32
      %select_n3A_388 = arith.select %and3A_385, %sub3A_387, %div3A_366 : i32
      %mul3A_389 = arith.constant 96 : i32
      %mul3A_390 = arith.muli %select_n3A_388, %mul3A_389 : i32
      %sub3A_391 = arith.subi %add3A_337, %mul3A_390 : i32
      %broadcast_in_dim3A_392 = vector.broadcast %sub3A_391 : i32 to vector<16xi32>
      %gather3A_393 = tpu.vector_load_idx %arg6[%broadcast_in_dim3A_392] : memref<96xi32, #tpu.memory_space<vmem>>[vector<16xi32>], vector<16xi32>,
      %reduce_max3A_394 = arith.constant true
      %reduce_max3A_395 = vector.broadcast %reduce_max3A_394 : i1 to vector<16xi1>
      %reduce_max3A_396 = arith.constant -2147483648 : i32
      %reduce_max3A_397 = vector.broadcast %reduce_max3A_396 : i32 to vector<16xi32>
      %reduce_max3A_398 = arith.xori %gather3A_393, %reduce_max3A_397 : vector<16xi32>
      %reduce_max3A_399 = tpu.scan <max>, %reduce_max3A_398 masked %reduce_max3A_395 : vector<16xi32>, vector<16xi1> -> vector<16xi32>
      %reduce_max3A_400 = arith.xori %reduce_max3A_399, %reduce_max3A_397 : vector<16xi32>
      %reduce_max3A_401 = vector.extract %reduce_max3A_400[15] : i32 from vector<16xi32>
      %mul3A_402 = arith.constant 56 : i32
      %mul3A_403 = arith.muli %sub3A_364, %mul3A_402 : i32
      %gt3A_404 = arith.constant 0 : i32
      %gt3A_405 = arith.cmpi sgt, %scan3A_215, %gt3A_404 : i32
      %convert_element_type3A_406 = arith.extui %gt3A_405 : i1 to i32
      %cond3A_407 = arith.constant 0 : i32
      %cond3A_408 = arith.cmpi ne, %convert_element_type3A_406, %cond3A_407 : i32
      scf.if %cond3A_408 {
        %dma_wait3A_1909 = arith.constant 0 : i32
        %dma_wait3A_1910 = arith.constant 0 : i32
        %dma_wait3A_1911 = arith.constant 0 : i32
        %dma_wait3A_1912 = arith.constant 0 : i32
        %dma_wait3A_1913 = tpu.memref_slice %arg4[%dma_wait3A_1909, %dma_wait3A_1910, %dma_wait3A_1911, %dma_wait3A_1912] : memref<8x96x224x224xf32, #tpu.memory_space<hbm>> -> memref<1x1x56x224xf32, #tpu.memory_space<hbm>>
        %dma_wait3A_1914 = arith.constant 0 : i32
        %dma_wait3A_1915 = arith.constant 0 : i32
        %dma_wait3A_1916 = arith.constant 0 : i32
        %dma_wait3A_1917 = arith.constant 0 : i32
        %dma_wait3A_1918 = tpu.memref_slice %arg4[%dma_wait3A_1914, %dma_wait3A_1915, %dma_wait3A_1916, %dma_wait3A_1917] : memref<8x96x224x224xf32, #tpu.memory_space<hbm>> -> memref<1x1x56x224xf32, #tpu.memory_space<hbm>>
        tpu.wait_dma2 semaphore(%arg24 : memref<!tpu.dma_semaphore, #tpu.memory_space<semaphore_mem>>) src(%arg8 : memref<1x1x56x224xf32, #tpu.memory_space<vmem>>) dst(%dma_wait3A_1918 : memref<1x1x56x224xf32, #tpu.memory_space<hbm>>)
      } else {
      }
      %dma_start3A_409 = arith.constant 0 : i32
      %dma_start3A_410 = tpu.memref_slice %arg3[%select_n3A_388, %reduce_max3A_401, %mul3A_403, %dma_start3A_409] : memref<8x96x224x224xf32, #tpu.memory_space<hbm>> -> memref<1x1x56x224xf32, #tpu.memory_space<hbm>>
      %dma_start3A_411 = arith.constant 0 : i32
      %dma_start3A_412 = tpu.memref_slice %arg3[%select_n3A_388, %reduce_max3A_401, %mul3A_403, %dma_start3A_411] : memref<8x96x224x224xf32, #tpu.memory_space<hbm>> -> memref<1x1x56x224xf32, #tpu.memory_space<hbm>>
      tpu.enqueue_dma source(%dma_start3A_412 : memref<1x1x56x224xf32, #tpu.memory_space<hbm>>) target(%arg8 : memref<1x1x56x224xf32, #tpu.memory_space<vmem>>) target_semaphore(%arg16 : memref<!tpu.dma_semaphore, #tpu.memory_space<semaphore_mem>>)
      %mul3A_413 = arith.constant 8 : i32
      %mul3A_414 = arith.muli %scan3A_215, %mul3A_413 : i32
      %add3A_415 = arith.constant 2 : i32
      %add3A_416 = arith.addi %mul3A_414, %add3A_415 : i32
      %jit3A_417 = arith.constant 4 : i32
      %div3A_418 = arith.divsi %add3A_416, %jit3A_417 : i32
      %sign3A_419 = arith.constant 0 : i32
      %sign3A_420 = arith.cmpi sgt, %add3A_416, %sign3A_419 : i32
      %sign3A_421 = arith.extui %sign3A_420 : i1 to i32
      %sign3A_422 = arith.constant 0 : i32
      %sign3A_423 = arith.cmpi slt, %add3A_416, %sign3A_422 : i32
      %sign3A_424 = arith.extui %sign3A_423 : i1 to i32
      %sign3A_425 = arith.subi %sign3A_421, %sign3A_424 : i32
      %sign3A_426 = arith.constant 0 : i32
      %sign3A_427 = arith.cmpi sgt, %jit3A_417, %sign3A_426 : i32
      %sign3A_428 = arith.extui %sign3A_427 : i1 to i32
      %sign3A_429 = arith.constant 0 : i32
      %sign3A_430 = arith.cmpi slt, %jit3A_417, %sign3A_429 : i32
      %sign3A_431 = arith.extui %sign3A_430 : i1 to i32
      %sign3A_432 = arith.subi %sign3A_428, %sign3A_431 : i32
      %ne3A_433 = arith.cmpi ne, %sign3A_425, %sign3A_432 : i32
      %rem3A_434 = arith.remsi %add3A_416, %jit3A_417 : i32
      %ne3A_435 = arith.constant 0 : i32
      %ne3A_436 = arith.cmpi ne, %rem3A_434, %ne3A_435 : i32
      %and3A_437 = arith.andi %ne3A_433, %ne3A_436 : i1
      %sub3A_438 = arith.constant 1 : i32
      %sub3A_439 = arith.subi %div3A_418, %sub3A_438 : i32
      %select_n3A_440 = arith.select %and3A_437, %sub3A_439, %div3A_418 : i32
      %add3A_441 = arith.addi %mul3A_130, %select_n3A_440 : i32
      %jit3A_442 = arith.constant 4 : i32
      %div3A_443 = arith.divsi %add3A_416, %jit3A_442 : i32
      %sign3A_444 = arith.constant 0 : i32
      %sign3A_445 = arith.cmpi sgt, %add3A_416, %sign3A_444 : i32
      %sign3A_446 = arith.extui %sign3A_445 : i1 to i32
      %sign3A_447 = arith.constant 0 : i32
      %sign3A_448 = arith.cmpi slt, %add3A_416, %sign3A_447 : i32
      %sign3A_449 = arith.extui %sign3A_448 : i1 to i32
      %sign3A_450 = arith.subi %sign3A_446, %sign3A_449 : i32
      %sign3A_451 = arith.constant 0 : i32
      %sign3A_452 = arith.cmpi sgt, %jit3A_442, %sign3A_451 : i32
      %sign3A_453 = arith.extui %sign3A_452 : i1 to i32
      %sign3A_454 = arith.constant 0 : i32
      %sign3A_455 = arith.cmpi slt, %jit3A_442, %sign3A_454 : i32
      %sign3A_456 = arith.extui %sign3A_455 : i1 to i32
      %sign3A_457 = arith.subi %sign3A_453, %sign3A_456 : i32
      %ne3A_458 = arith.cmpi ne, %sign3A_450, %sign3A_457 : i32
      %rem3A_459 = arith.remsi %add3A_416, %jit3A_442 : i32
      %ne3A_460 = arith.constant 0 : i32
      %ne3A_461 = arith.cmpi ne, %rem3A_459, %ne3A_460 : i32
      %and3A_462 = arith.andi %ne3A_458, %ne3A_461 : i1
      %sub3A_463 = arith.constant 1 : i32
      %sub3A_464 = arith.subi %div3A_443, %sub3A_463 : i32
      %select_n3A_465 = arith.select %and3A_462, %sub3A_464, %div3A_443 : i32
      %mul3A_466 = arith.constant 4 : i32
      %mul3A_467 = arith.muli %select_n3A_465, %mul3A_466 : i32
      %sub3A_468 = arith.subi %add3A_416, %mul3A_467 : i32
      %jit3A_469 = arith.constant 96 : i32
      %div3A_470 = arith.divsi %add3A_441, %jit3A_469 : i32
      %sign3A_471 = arith.constant 0 : i32
      %sign3A_472 = arith.cmpi sgt, %add3A_441, %sign3A_471 : i32
      %sign3A_473 = arith.extui %sign3A_472 : i1 to i32
      %sign3A_474 = arith.constant 0 : i32
      %sign3A_475 = arith.cmpi slt, %add3A_441, %sign3A_474 : i32
      %sign3A_476 = arith.extui %sign3A_475 : i1 to i32
      %sign3A_477 = arith.subi %sign3A_473, %sign3A_476 : i32
      %sign3A_478 = arith.constant 0 : i32
      %sign3A_479 = arith.cmpi sgt, %jit3A_469, %sign3A_478 : i32
      %sign3A_480 = arith.extui %sign3A_479 : i1 to i32
      %sign3A_481 = arith.constant 0 : i32
      %sign3A_482 = arith.cmpi slt, %jit3A_469, %sign3A_481 : i32
      %sign3A_483 = arith.extui %sign3A_482 : i1 to i32
      %sign3A_484 = arith.subi %sign3A_480, %sign3A_483 : i32
      %ne3A_485 = arith.cmpi ne, %sign3A_477, %sign3A_484 : i32
      %rem3A_486 = arith.remsi %add3A_441, %jit3A_469 : i32
      %ne3A_487 = arith.constant 0 : i32
      %ne3A_488 = arith.cmpi ne, %rem3A_486, %ne3A_487 : i32
      %and3A_489 = arith.andi %ne3A_485, %ne3A_488 : i1
      %sub3A_490 = arith.constant 1 : i32
      %sub3A_491 = arith.subi %div3A_470, %sub3A_490 : i32
      %select_n3A_492 = arith.select %and3A_489, %sub3A_491, %div3A_470 : i32
      %mul3A_493 = arith.constant 96 : i32
      %mul3A_494 = arith.muli %select_n3A_492, %mul3A_493 : i32
      %sub3A_495 = arith.subi %add3A_441, %mul3A_494 : i32
      %broadcast_in_dim3A_496 = vector.broadcast %sub3A_495 : i32 to vector<16xi32>
      %gather3A_497 = tpu.vector_load_idx %arg6[%broadcast_in_dim3A_496] : memref<96xi32, #tpu.memory_space<vmem>>[vector<16xi32>], vector<16xi32>,
      %reduce_max3A_498 = arith.constant true
      %reduce_max3A_499 = vector.broadcast %reduce_max3A_498 : i1 to vector<16xi1>
      %reduce_max3A_500 = arith.constant -2147483648 : i32
      %reduce_max3A_501 = vector.broadcast %reduce_max3A_500 : i32 to vector<16xi32>
      %reduce_max3A_502 = arith.xori %gather3A_497, %reduce_max3A_501 : vector<16xi32>
      %reduce_max3A_503 = tpu.scan <max>, %reduce_max3A_502 masked %reduce_max3A_499 : vector<16xi32>, vector<16xi1> -> vector<16xi32>
      %reduce_max3A_504 = arith.xori %reduce_max3A_503, %reduce_max3A_501 : vector<16xi32>
      %reduce_max3A_505 = vector.extract %reduce_max3A_504[15] : i32 from vector<16xi32>
      %mul3A_506 = arith.constant 56 : i32
      %mul3A_507 = arith.muli %sub3A_468, %mul3A_506 : i32
      %gt3A_508 = arith.constant 0 : i32
      %gt3A_509 = arith.cmpi sgt, %scan3A_215, %gt3A_508 : i32
      %convert_element_type3A_510 = arith.extui %gt3A_509 : i1 to i32
      %cond3A_511 = arith.constant 0 : i32
      %cond3A_512 = arith.cmpi ne, %convert_element_type3A_510, %cond3A_511 : i32
      scf.if %cond3A_512 {
        %dma_wait3A_1909 = arith.constant 0 : i32
        %dma_wait3A_1910 = arith.constant 0 : i32
        %dma_wait3A_1911 = arith.constant 0 : i32
        %dma_wait3A_1912 = arith.constant 0 : i32
        %dma_wait3A_1913 = tpu.memref_slice %arg4[%dma_wait3A_1909, %dma_wait3A_1910, %dma_wait3A_1911, %dma_wait3A_1912] : memref<8x96x224x224xf32, #tpu.memory_space<hbm>> -> memref<1x1x56x224xf32, #tpu.memory_space<hbm>>
        %dma_wait3A_1914 = arith.constant 0 : i32
        %dma_wait3A_1915 = arith.constant 0 : i32
        %dma_wait3A_1916 = arith.constant 0 : i32
        %dma_wait3A_1917 = arith.constant 0 : i32
        %dma_wait3A_1918 = tpu.memref_slice %arg4[%dma_wait3A_1914, %dma_wait3A_1915, %dma_wait3A_1916, %dma_wait3A_1917] : memref<8x96x224x224xf32, #tpu.memory_space<hbm>> -> memref<1x1x56x224xf32, #tpu.memory_space<hbm>>
        tpu.wait_dma2 semaphore(%arg25 : memref<!tpu.dma_semaphore, #tpu.memory_space<semaphore_mem>>) src(%arg9 : memref<1x1x56x224xf32, #tpu.memory_space<vmem>>) dst(%dma_wait3A_1918 : memref<1x1x56x224xf32, #tpu.memory_space<hbm>>)
      } else {
      }
      %dma_start3A_513 = arith.constant 0 : i32
      %dma_start3A_514 = tpu.memref_slice %arg3[%select_n3A_492, %reduce_max3A_505, %mul3A_507, %dma_start3A_513] : memref<8x96x224x224xf32, #tpu.memory_space<hbm>> -> memref<1x1x56x224xf32, #tpu.memory_space<hbm>>
      %dma_start3A_515 = arith.constant 0 : i32
      %dma_start3A_516 = tpu.memref_slice %arg3[%select_n3A_492, %reduce_max3A_505, %mul3A_507, %dma_start3A_515] : memref<8x96x224x224xf32, #tpu.memory_space<hbm>> -> memref<1x1x56x224xf32, #tpu.memory_space<hbm>>
      tpu.enqueue_dma source(%dma_start3A_516 : memref<1x1x56x224xf32, #tpu.memory_space<hbm>>) target(%arg9 : memref<1x1x56x224xf32, #tpu.memory_space<vmem>>) target_semaphore(%arg17 : memref<!tpu.dma_semaphore, #tpu.memory_space<semaphore_mem>>)
      %mul3A_517 = arith.constant 8 : i32
      %mul3A_518 = arith.muli %scan3A_215, %mul3A_517 : i32
      %add3A_519 = arith.constant 3 : i32
      %add3A_520 = arith.addi %mul3A_518, %add3A_519 : i32
      %jit3A_521 = arith.constant 4 : i32
      %div3A_522 = arith.divsi %add3A_520, %jit3A_521 : i32
      %sign3A_523 = arith.constant 0 : i32
      %sign3A_524 = arith.cmpi sgt, %add3A_520, %sign3A_523 : i32
      %sign3A_525 = arith.extui %sign3A_524 : i1 to i32
      %sign3A_526 = arith.constant 0 : i32
      %sign3A_527 = arith.cmpi slt, %add3A_520, %sign3A_526 : i32
      %sign3A_528 = arith.extui %sign3A_527 : i1 to i32
      %sign3A_529 = arith.subi %sign3A_525, %sign3A_528 : i32
      %sign3A_530 = arith.constant 0 : i32
      %sign3A_531 = arith.cmpi sgt, %jit3A_521, %sign3A_530 : i32
      %sign3A_532 = arith.extui %sign3A_531 : i1 to i32
      %sign3A_533 = arith.constant 0 : i32
      %sign3A_534 = arith.cmpi slt, %jit3A_521, %sign3A_533 : i32
      %sign3A_535 = arith.extui %sign3A_534 : i1 to i32
      %sign3A_536 = arith.subi %sign3A_532, %sign3A_535 : i32
      %ne3A_537 = arith.cmpi ne, %sign3A_529, %sign3A_536 : i32
      %rem3A_538 = arith.remsi %add3A_520, %jit3A_521 : i32
      %ne3A_539 = arith.constant 0 : i32
      %ne3A_540 = arith.cmpi ne, %rem3A_538, %ne3A_539 : i32
      %and3A_541 = arith.andi %ne3A_537, %ne3A_540 : i1
      %sub3A_542 = arith.constant 1 : i32
      %sub3A_543 = arith.subi %div3A_522, %sub3A_542 : i32
      %select_n3A_544 = arith.select %and3A_541, %sub3A_543, %div3A_522 : i32
      %add3A_545 = arith.addi %mul3A_130, %select_n3A_544 : i32
      %jit3A_546 = arith.constant 4 : i32
      %div3A_547 = arith.divsi %add3A_520, %jit3A_546 : i32
      %sign3A_548 = arith.constant 0 : i32
      %sign3A_549 = arith.cmpi sgt, %add3A_520, %sign3A_548 : i32
      %sign3A_550 = arith.extui %sign3A_549 : i1 to i32
      %sign3A_551 = arith.constant 0 : i32
      %sign3A_552 = arith.cmpi slt, %add3A_520, %sign3A_551 : i32
      %sign3A_553 = arith.extui %sign3A_552 : i1 to i32
      %sign3A_554 = arith.subi %sign3A_550, %sign3A_553 : i32
      %sign3A_555 = arith.constant 0 : i32
      %sign3A_556 = arith.cmpi sgt, %jit3A_546, %sign3A_555 : i32
      %sign3A_557 = arith.extui %sign3A_556 : i1 to i32
      %sign3A_558 = arith.constant 0 : i32
      %sign3A_559 = arith.cmpi slt, %jit3A_546, %sign3A_558 : i32
      %sign3A_560 = arith.extui %sign3A_559 : i1 to i32
      %sign3A_561 = arith.subi %sign3A_557, %sign3A_560 : i32
      %ne3A_562 = arith.cmpi ne, %sign3A_554, %sign3A_561 : i32
      %rem3A_563 = arith.remsi %add3A_520, %jit3A_546 : i32
      %ne3A_564 = arith.constant 0 : i32
      %ne3A_565 = arith.cmpi ne, %rem3A_563, %ne3A_564 : i32
      %and3A_566 = arith.andi %ne3A_562, %ne3A_565 : i1
      %sub3A_567 = arith.constant 1 : i32
      %sub3A_568 = arith.subi %div3A_547, %sub3A_567 : i32
      %select_n3A_569 = arith.select %and3A_566, %sub3A_568, %div3A_547 : i32
      %mul3A_570 = arith.constant 4 : i32
      %mul3A_571 = arith.muli %select_n3A_569, %mul3A_570 : i32
      %sub3A_572 = arith.subi %add3A_520, %mul3A_571 : i32
      %jit3A_573 = arith.constant 96 : i32
      %div3A_574 = arith.divsi %add3A_545, %jit3A_573 : i32
      %sign3A_575 = arith.constant 0 : i32
      %sign3A_576 = arith.cmpi sgt, %add3A_545, %sign3A_575 : i32
      %sign3A_577 = arith.extui %sign3A_576 : i1 to i32
      %sign3A_578 = arith.constant 0 : i32
      %sign3A_579 = arith.cmpi slt, %add3A_545, %sign3A_578 : i32
      %sign3A_580 = arith.extui %sign3A_579 : i1 to i32
      %sign3A_581 = arith.subi %sign3A_577, %sign3A_580 : i32
      %sign3A_582 = arith.constant 0 : i32
      %sign3A_583 = arith.cmpi sgt, %jit3A_573, %sign3A_582 : i32
      %sign3A_584 = arith.extui %sign3A_583 : i1 to i32
      %sign3A_585 = arith.constant 0 : i32
      %sign3A_586 = arith.cmpi slt, %jit3A_573, %sign3A_585 : i32
      %sign3A_587 = arith.extui %sign3A_586 : i1 to i32
      %sign3A_588 = arith.subi %sign3A_584, %sign3A_587 : i32
      %ne3A_589 = arith.cmpi ne, %sign3A_581, %sign3A_588 : i32
      %rem3A_590 = arith.remsi %add3A_545, %jit3A_573 : i32
      %ne3A_591 = arith.constant 0 : i32
      %ne3A_592 = arith.cmpi ne, %rem3A_590, %ne3A_591 : i32
      %and3A_593 = arith.andi %ne3A_589, %ne3A_592 : i1
      %sub3A_594 = arith.constant 1 : i32
      %sub3A_595 = arith.subi %div3A_574, %sub3A_594 : i32
      %select_n3A_596 = arith.select %and3A_593, %sub3A_595, %div3A_574 : i32
      %mul3A_597 = arith.constant 96 : i32
      %mul3A_598 = arith.muli %select_n3A_596, %mul3A_597 : i32
      %sub3A_599 = arith.subi %add3A_545, %mul3A_598 : i32
      %broadcast_in_dim3A_600 = vector.broadcast %sub3A_599 : i32 to vector<16xi32>
      %gather3A_601 = tpu.vector_load_idx %arg6[%broadcast_in_dim3A_600] : memref<96xi32, #tpu.memory_space<vmem>>[vector<16xi32>], vector<16xi32>,
      %reduce_max3A_602 = arith.constant true
      %reduce_max3A_603 = vector.broadcast %reduce_max3A_602 : i1 to vector<16xi1>
      %reduce_max3A_604 = arith.constant -2147483648 : i32
      %reduce_max3A_605 = vector.broadcast %reduce_max3A_604 : i32 to vector<16xi32>
      %reduce_max3A_606 = arith.xori %gather3A_601, %reduce_max3A_605 : vector<16xi32>
      %reduce_max3A_607 = tpu.scan <max>, %reduce_max3A_606 masked %reduce_max3A_603 : vector<16xi32>, vector<16xi1> -> vector<16xi32>
      %reduce_max3A_608 = arith.xori %reduce_max3A_607, %reduce_max3A_605 : vector<16xi32>
      %reduce_max3A_609 = vector.extract %reduce_max3A_608[15] : i32 from vector<16xi32>
      %mul3A_610 = arith.constant 56 : i32
      %mul3A_611 = arith.muli %sub3A_572, %mul3A_610 : i32
      %gt3A_612 = arith.constant 0 : i32
      %gt3A_613 = arith.cmpi sgt, %scan3A_215, %gt3A_612 : i32
      %convert_element_type3A_614 = arith.extui %gt3A_613 : i1 to i32
      %cond3A_615 = arith.constant 0 : i32
      %cond3A_616 = arith.cmpi ne, %convert_element_type3A_614, %cond3A_615 : i32
      scf.if %cond3A_616 {
        %dma_wait3A_1909 = arith.constant 0 : i32
        %dma_wait3A_1910 = arith.constant 0 : i32
        %dma_wait3A_1911 = arith.constant 0 : i32
        %dma_wait3A_1912 = arith.constant 0 : i32
        %dma_wait3A_1913 = tpu.memref_slice %arg4[%dma_wait3A_1909, %dma_wait3A_1910, %dma_wait3A_1911, %dma_wait3A_1912] : memref<8x96x224x224xf32, #tpu.memory_space<hbm>> -> memref<1x1x56x224xf32, #tpu.memory_space<hbm>>
        %dma_wait3A_1914 = arith.constant 0 : i32
        %dma_wait3A_1915 = arith.constant 0 : i32
        %dma_wait3A_1916 = arith.constant 0 : i32
        %dma_wait3A_1917 = arith.constant 0 : i32
        %dma_wait3A_1918 = tpu.memref_slice %arg4[%dma_wait3A_1914, %dma_wait3A_1915, %dma_wait3A_1916, %dma_wait3A_1917] : memref<8x96x224x224xf32, #tpu.memory_space<hbm>> -> memref<1x1x56x224xf32, #tpu.memory_space<hbm>>
        tpu.wait_dma2 semaphore(%arg26 : memref<!tpu.dma_semaphore, #tpu.memory_space<semaphore_mem>>) src(%arg10 : memref<1x1x56x224xf32, #tpu.memory_space<vmem>>) dst(%dma_wait3A_1918 : memref<1x1x56x224xf32, #tpu.memory_space<hbm>>)
      } else {
      }
      %dma_start3A_617 = arith.constant 0 : i32
      %dma_start3A_618 = tpu.memref_slice %arg3[%select_n3A_596, %reduce_max3A_609, %mul3A_611, %dma_start3A_617] : memref<8x96x224x224xf32, #tpu.memory_space<hbm>> -> memref<1x1x56x224xf32, #tpu.memory_space<hbm>>
      %dma_start3A_619 = arith.constant 0 : i32
      %dma_start3A_620 = tpu.memref_slice %arg3[%select_n3A_596, %reduce_max3A_609, %mul3A_611, %dma_start3A_619] : memref<8x96x224x224xf32, #tpu.memory_space<hbm>> -> memref<1x1x56x224xf32, #tpu.memory_space<hbm>>
      tpu.enqueue_dma source(%dma_start3A_620 : memref<1x1x56x224xf32, #tpu.memory_space<hbm>>) target(%arg10 : memref<1x1x56x224xf32, #tpu.memory_space<vmem>>) target_semaphore(%arg18 : memref<!tpu.dma_semaphore, #tpu.memory_space<semaphore_mem>>)
      %mul3A_621 = arith.constant 8 : i32
      %mul3A_622 = arith.muli %scan3A_215, %mul3A_621 : i32
      %add3A_623 = arith.constant 4 : i32
      %add3A_624 = arith.addi %mul3A_622, %add3A_623 : i32
      %jit3A_625 = arith.constant 4 : i32
      %div3A_626 = arith.divsi %add3A_624, %jit3A_625 : i32
      %sign3A_627 = arith.constant 0 : i32
      %sign3A_628 = arith.cmpi sgt, %add3A_624, %sign3A_627 : i32
      %sign3A_629 = arith.extui %sign3A_628 : i1 to i32
      %sign3A_630 = arith.constant 0 : i32
      %sign3A_631 = arith.cmpi slt, %add3A_624, %sign3A_630 : i32
      %sign3A_632 = arith.extui %sign3A_631 : i1 to i32
      %sign3A_633 = arith.subi %sign3A_629, %sign3A_632 : i32
      %sign3A_634 = arith.constant 0 : i32
      %sign3A_635 = arith.cmpi sgt, %jit3A_625, %sign3A_634 : i32
      %sign3A_636 = arith.extui %sign3A_635 : i1 to i32
      %sign3A_637 = arith.constant 0 : i32
      %sign3A_638 = arith.cmpi slt, %jit3A_625, %sign3A_637 : i32
      %sign3A_639 = arith.extui %sign3A_638 : i1 to i32
      %sign3A_640 = arith.subi %sign3A_636, %sign3A_639 : i32
      %ne3A_641 = arith.cmpi ne, %sign3A_633, %sign3A_640 : i32
      %rem3A_642 = arith.remsi %add3A_624, %jit3A_625 : i32
      %ne3A_643 = arith.constant 0 : i32
      %ne3A_644 = arith.cmpi ne, %rem3A_642, %ne3A_643 : i32
      %and3A_645 = arith.andi %ne3A_641, %ne3A_644 : i1
      %sub3A_646 = arith.constant 1 : i32
      %sub3A_647 = arith.subi %div3A_626, %sub3A_646 : i32
      %select_n3A_648 = arith.select %and3A_645, %sub3A_647, %div3A_626 : i32
      %add3A_649 = arith.addi %mul3A_130, %select_n3A_648 : i32
      %jit3A_650 = arith.constant 4 : i32
      %div3A_651 = arith.divsi %add3A_624, %jit3A_650 : i32
      %sign3A_652 = arith.constant 0 : i32
      %sign3A_653 = arith.cmpi sgt, %add3A_624, %sign3A_652 : i32
      %sign3A_654 = arith.extui %sign3A_653 : i1 to i32
      %sign3A_655 = arith.constant 0 : i32
      %sign3A_656 = arith.cmpi slt, %add3A_624, %sign3A_655 : i32
      %sign3A_657 = arith.extui %sign3A_656 : i1 to i32
      %sign3A_658 = arith.subi %sign3A_654, %sign3A_657 : i32
      %sign3A_659 = arith.constant 0 : i32
      %sign3A_660 = arith.cmpi sgt, %jit3A_650, %sign3A_659 : i32
      %sign3A_661 = arith.extui %sign3A_660 : i1 to i32
      %sign3A_662 = arith.constant 0 : i32
      %sign3A_663 = arith.cmpi slt, %jit3A_650, %sign3A_662 : i32
      %sign3A_664 = arith.extui %sign3A_663 : i1 to i32
      %sign3A_665 = arith.subi %sign3A_661, %sign3A_664 : i32
      %ne3A_666 = arith.cmpi ne, %sign3A_658, %sign3A_665 : i32
      %rem3A_667 = arith.remsi %add3A_624, %jit3A_650 : i32
      %ne3A_668 = arith.constant 0 : i32
      %ne3A_669 = arith.cmpi ne, %rem3A_667, %ne3A_668 : i32
      %and3A_670 = arith.andi %ne3A_666, %ne3A_669 : i1
      %sub3A_671 = arith.constant 1 : i32
      %sub3A_672 = arith.subi %div3A_651, %sub3A_671 : i32
      %select_n3A_673 = arith.select %and3A_670, %sub3A_672, %div3A_651 : i32
      %mul3A_674 = arith.constant 4 : i32
      %mul3A_675 = arith.muli %select_n3A_673, %mul3A_674 : i32
      %sub3A_676 = arith.subi %add3A_624, %mul3A_675 : i32
      %jit3A_677 = arith.constant 96 : i32
      %div3A_678 = arith.divsi %add3A_649, %jit3A_677 : i32
      %sign3A_679 = arith.constant 0 : i32
      %sign3A_680 = arith.cmpi sgt, %add3A_649, %sign3A_679 : i32
      %sign3A_681 = arith.extui %sign3A_680 : i1 to i32
      %sign3A_682 = arith.constant 0 : i32
      %sign3A_683 = arith.cmpi slt, %add3A_649, %sign3A_682 : i32
      %sign3A_684 = arith.extui %sign3A_683 : i1 to i32
      %sign3A_685 = arith.subi %sign3A_681, %sign3A_684 : i32
      %sign3A_686 = arith.constant 0 : i32
      %sign3A_687 = arith.cmpi sgt, %jit3A_677, %sign3A_686 : i32
      %sign3A_688 = arith.extui %sign3A_687 : i1 to i32
      %sign3A_689 = arith.constant 0 : i32
      %sign3A_690 = arith.cmpi slt, %jit3A_677, %sign3A_689 : i32
      %sign3A_691 = arith.extui %sign3A_690 : i1 to i32
      %sign3A_692 = arith.subi %sign3A_688, %sign3A_691 : i32
      %ne3A_693 = arith.cmpi ne, %sign3A_685, %sign3A_692 : i32
      %rem3A_694 = arith.remsi %add3A_649, %jit3A_677 : i32
      %ne3A_695 = arith.constant 0 : i32
      %ne3A_696 = arith.cmpi ne, %rem3A_694, %ne3A_695 : i32
      %and3A_697 = arith.andi %ne3A_693, %ne3A_696 : i1
      %sub3A_698 = arith.constant 1 : i32
      %sub3A_699 = arith.subi %div3A_678, %sub3A_698 : i32
      %select_n3A_700 = arith.select %and3A_697, %sub3A_699, %div3A_678 : i32
      %mul3A_701 = arith.constant 96 : i32
      %mul3A_702 = arith.muli %select_n3A_700, %mul3A_701 : i32
      %sub3A_703 = arith.subi %add3A_649, %mul3A_702 : i32
      %broadcast_in_dim3A_704 = vector.broadcast %sub3A_703 : i32 to vector<16xi32>
      %gather3A_705 = tpu.vector_load_idx %arg6[%broadcast_in_dim3A_704] : memref<96xi32, #tpu.memory_space<vmem>>[vector<16xi32>], vector<16xi32>,
      %reduce_max3A_706 = arith.constant true
      %reduce_max3A_707 = vector.broadcast %reduce_max3A_706 : i1 to vector<16xi1>
      %reduce_max3A_708 = arith.constant -2147483648 : i32
      %reduce_max3A_709 = vector.broadcast %reduce_max3A_708 : i32 to vector<16xi32>
      %reduce_max3A_710 = arith.xori %gather3A_705, %reduce_max3A_709 : vector<16xi32>
      %reduce_max3A_711 = tpu.scan <max>, %reduce_max3A_710 masked %reduce_max3A_707 : vector<16xi32>, vector<16xi1> -> vector<16xi32>
      %reduce_max3A_712 = arith.xori %reduce_max3A_711, %reduce_max3A_709 : vector<16xi32>
      %reduce_max3A_713 = vector.extract %reduce_max3A_712[15] : i32 from vector<16xi32>
      %mul3A_714 = arith.constant 56 : i32
      %mul3A_715 = arith.muli %sub3A_676, %mul3A_714 : i32
      %gt3A_716 = arith.constant 0 : i32
      %gt3A_717 = arith.cmpi sgt, %scan3A_215, %gt3A_716 : i32
      %convert_element_type3A_718 = arith.extui %gt3A_717 : i1 to i32
      %cond3A_719 = arith.constant 0 : i32
      %cond3A_720 = arith.cmpi ne, %convert_element_type3A_718, %cond3A_719 : i32
      scf.if %cond3A_720 {
        %dma_wait3A_1909 = arith.constant 0 : i32
        %dma_wait3A_1910 = arith.constant 0 : i32
        %dma_wait3A_1911 = arith.constant 0 : i32
        %dma_wait3A_1912 = arith.constant 0 : i32
        %dma_wait3A_1913 = tpu.memref_slice %arg4[%dma_wait3A_1909, %dma_wait3A_1910, %dma_wait3A_1911, %dma_wait3A_1912] : memref<8x96x224x224xf32, #tpu.memory_space<hbm>> -> memref<1x1x56x224xf32, #tpu.memory_space<hbm>>
        %dma_wait3A_1914 = arith.constant 0 : i32
        %dma_wait3A_1915 = arith.constant 0 : i32
        %dma_wait3A_1916 = arith.constant 0 : i32
        %dma_wait3A_1917 = arith.constant 0 : i32
        %dma_wait3A_1918 = tpu.memref_slice %arg4[%dma_wait3A_1914, %dma_wait3A_1915, %dma_wait3A_1916, %dma_wait3A_1917] : memref<8x96x224x224xf32, #tpu.memory_space<hbm>> -> memref<1x1x56x224xf32, #tpu.memory_space<hbm>>
        tpu.wait_dma2 semaphore(%arg27 : memref<!tpu.dma_semaphore, #tpu.memory_space<semaphore_mem>>) src(%arg11 : memref<1x1x56x224xf32, #tpu.memory_space<vmem>>) dst(%dma_wait3A_1918 : memref<1x1x56x224xf32, #tpu.memory_space<hbm>>)
      } else {
      }
      %dma_start3A_721 = arith.constant 0 : i32
      %dma_start3A_722 = tpu.memref_slice %arg3[%select_n3A_700, %reduce_max3A_713, %mul3A_715, %dma_start3A_721] : memref<8x96x224x224xf32, #tpu.memory_space<hbm>> -> memref<1x1x56x224xf32, #tpu.memory_space<hbm>>
      %dma_start3A_723 = arith.constant 0 : i32
      %dma_start3A_724 = tpu.memref_slice %arg3[%select_n3A_700, %reduce_max3A_713, %mul3A_715, %dma_start3A_723] : memref<8x96x224x224xf32, #tpu.memory_space<hbm>> -> memref<1x1x56x224xf32, #tpu.memory_space<hbm>>
      tpu.enqueue_dma source(%dma_start3A_724 : memref<1x1x56x224xf32, #tpu.memory_space<hbm>>) target(%arg11 : memref<1x1x56x224xf32, #tpu.memory_space<vmem>>) target_semaphore(%arg19 : memref<!tpu.dma_semaphore, #tpu.memory_space<semaphore_mem>>)
      %mul3A_725 = arith.constant 8 : i32
      %mul3A_726 = arith.muli %scan3A_215, %mul3A_725 : i32
      %add3A_727 = arith.constant 5 : i32
      %add3A_728 = arith.addi %mul3A_726, %add3A_727 : i32
      %jit3A_729 = arith.constant 4 : i32
      %div3A_730 = arith.divsi %add3A_728, %jit3A_729 : i32
      %sign3A_731 = arith.constant 0 : i32
      %sign3A_732 = arith.cmpi sgt, %add3A_728, %sign3A_731 : i32
      %sign3A_733 = arith.extui %sign3A_732 : i1 to i32
      %sign3A_734 = arith.constant 0 : i32
      %sign3A_735 = arith.cmpi slt, %add3A_728, %sign3A_734 : i32
      %sign3A_736 = arith.extui %sign3A_735 : i1 to i32
      %sign3A_737 = arith.subi %sign3A_733, %sign3A_736 : i32
      %sign3A_738 = arith.constant 0 : i32
      %sign3A_739 = arith.cmpi sgt, %jit3A_729, %sign3A_738 : i32
      %sign3A_740 = arith.extui %sign3A_739 : i1 to i32
      %sign3A_741 = arith.constant 0 : i32
      %sign3A_742 = arith.cmpi slt, %jit3A_729, %sign3A_741 : i32
      %sign3A_743 = arith.extui %sign3A_742 : i1 to i32
      %sign3A_744 = arith.subi %sign3A_740, %sign3A_743 : i32
      %ne3A_745 = arith.cmpi ne, %sign3A_737, %sign3A_744 : i32
      %rem3A_746 = arith.remsi %add3A_728, %jit3A_729 : i32
      %ne3A_747 = arith.constant 0 : i32
      %ne3A_748 = arith.cmpi ne, %rem3A_746, %ne3A_747 : i32
      %and3A_749 = arith.andi %ne3A_745, %ne3A_748 : i1
      %sub3A_750 = arith.constant 1 : i32
      %sub3A_751 = arith.subi %div3A_730, %sub3A_750 : i32
      %select_n3A_752 = arith.select %and3A_749, %sub3A_751, %div3A_730 : i32
      %add3A_753 = arith.addi %mul3A_130, %select_n3A_752 : i32
      %jit3A_754 = arith.constant 4 : i32
      %div3A_755 = arith.divsi %add3A_728, %jit3A_754 : i32
      %sign3A_756 = arith.constant 0 : i32
      %sign3A_757 = arith.cmpi sgt, %add3A_728, %sign3A_756 : i32
      %sign3A_758 = arith.extui %sign3A_757 : i1 to i32
      %sign3A_759 = arith.constant 0 : i32
      %sign3A_760 = arith.cmpi slt, %add3A_728, %sign3A_759 : i32
      %sign3A_761 = arith.extui %sign3A_760 : i1 to i32
      %sign3A_762 = arith.subi %sign3A_758, %sign3A_761 : i32
      %sign3A_763 = arith.constant 0 : i32
      %sign3A_764 = arith.cmpi sgt, %jit3A_754, %sign3A_763 : i32
      %sign3A_765 = arith.extui %sign3A_764 : i1 to i32
      %sign3A_766 = arith.constant 0 : i32
      %sign3A_767 = arith.cmpi slt, %jit3A_754, %sign3A_766 : i32
      %sign3A_768 = arith.extui %sign3A_767 : i1 to i32
      %sign3A_769 = arith.subi %sign3A_765, %sign3A_768 : i32
      %ne3A_770 = arith.cmpi ne, %sign3A_762, %sign3A_769 : i32
      %rem3A_771 = arith.remsi %add3A_728, %jit3A_754 : i32
      %ne3A_772 = arith.constant 0 : i32
      %ne3A_773 = arith.cmpi ne, %rem3A_771, %ne3A_772 : i32
      %and3A_774 = arith.andi %ne3A_770, %ne3A_773 : i1
      %sub3A_775 = arith.constant 1 : i32
      %sub3A_776 = arith.subi %div3A_755, %sub3A_775 : i32
      %select_n3A_777 = arith.select %and3A_774, %sub3A_776, %div3A_755 : i32
      %mul3A_778 = arith.constant 4 : i32
      %mul3A_779 = arith.muli %select_n3A_777, %mul3A_778 : i32
      %sub3A_780 = arith.subi %add3A_728, %mul3A_779 : i32
      %jit3A_781 = arith.constant 96 : i32
      %div3A_782 = arith.divsi %add3A_753, %jit3A_781 : i32
      %sign3A_783 = arith.constant 0 : i32
      %sign3A_784 = arith.cmpi sgt, %add3A_753, %sign3A_783 : i32
      %sign3A_785 = arith.extui %sign3A_784 : i1 to i32
      %sign3A_786 = arith.constant 0 : i32
      %sign3A_787 = arith.cmpi slt, %add3A_753, %sign3A_786 : i32
      %sign3A_788 = arith.extui %sign3A_787 : i1 to i32
      %sign3A_789 = arith.subi %sign3A_785, %sign3A_788 : i32
      %sign3A_790 = arith.constant 0 : i32
      %sign3A_791 = arith.cmpi sgt, %jit3A_781, %sign3A_790 : i32
      %sign3A_792 = arith.extui %sign3A_791 : i1 to i32
      %sign3A_793 = arith.constant 0 : i32
      %sign3A_794 = arith.cmpi slt, %jit3A_781, %sign3A_793 : i32
      %sign3A_795 = arith.extui %sign3A_794 : i1 to i32
      %sign3A_796 = arith.subi %sign3A_792, %sign3A_795 : i32
      %ne3A_797 = arith.cmpi ne, %sign3A_789, %sign3A_796 : i32
      %rem3A_798 = arith.remsi %add3A_753, %jit3A_781 : i32
      %ne3A_799 = arith.constant 0 : i32
      %ne3A_800 = arith.cmpi ne, %rem3A_798, %ne3A_799 : i32
      %and3A_801 = arith.andi %ne3A_797, %ne3A_800 : i1
      %sub3A_802 = arith.constant 1 : i32
      %sub3A_803 = arith.subi %div3A_782, %sub3A_802 : i32
      %select_n3A_804 = arith.select %and3A_801, %sub3A_803, %div3A_782 : i32
      %mul3A_805 = arith.constant 96 : i32
      %mul3A_806 = arith.muli %select_n3A_804, %mul3A_805 : i32
      %sub3A_807 = arith.subi %add3A_753, %mul3A_806 : i32
      %broadcast_in_dim3A_808 = vector.broadcast %sub3A_807 : i32 to vector<16xi32>
      %gather3A_809 = tpu.vector_load_idx %arg6[%broadcast_in_dim3A_808] : memref<96xi32, #tpu.memory_space<vmem>>[vector<16xi32>], vector<16xi32>,
      %reduce_max3A_810 = arith.constant true
      %reduce_max3A_811 = vector.broadcast %reduce_max3A_810 : i1 to vector<16xi1>
      %reduce_max3A_812 = arith.constant -2147483648 : i32
      %reduce_max3A_813 = vector.broadcast %reduce_max3A_812 : i32 to vector<16xi32>
      %reduce_max3A_814 = arith.xori %gather3A_809, %reduce_max3A_813 : vector<16xi32>
      %reduce_max3A_815 = tpu.scan <max>, %reduce_max3A_814 masked %reduce_max3A_811 : vector<16xi32>, vector<16xi1> -> vector<16xi32>
      %reduce_max3A_816 = arith.xori %reduce_max3A_815, %reduce_max3A_813 : vector<16xi32>
      %reduce_max3A_817 = vector.extract %reduce_max3A_816[15] : i32 from vector<16xi32>
      %mul3A_818 = arith.constant 56 : i32
      %mul3A_819 = arith.muli %sub3A_780, %mul3A_818 : i32
      %gt3A_820 = arith.constant 0 : i32
      %gt3A_821 = arith.cmpi sgt, %scan3A_215, %gt3A_820 : i32
      %convert_element_type3A_822 = arith.extui %gt3A_821 : i1 to i32
      %cond3A_823 = arith.constant 0 : i32
      %cond3A_824 = arith.cmpi ne, %convert_element_type3A_822, %cond3A_823 : i32
      scf.if %cond3A_824 {
        %dma_wait3A_1909 = arith.constant 0 : i32
        %dma_wait3A_1910 = arith.constant 0 : i32
        %dma_wait3A_1911 = arith.constant 0 : i32
        %dma_wait3A_1912 = arith.constant 0 : i32
        %dma_wait3A_1913 = tpu.memref_slice %arg4[%dma_wait3A_1909, %dma_wait3A_1910, %dma_wait3A_1911, %dma_wait3A_1912] : memref<8x96x224x224xf32, #tpu.memory_space<hbm>> -> memref<1x1x56x224xf32, #tpu.memory_space<hbm>>
        %dma_wait3A_1914 = arith.constant 0 : i32
        %dma_wait3A_1915 = arith.constant 0 : i32
        %dma_wait3A_1916 = arith.constant 0 : i32
        %dma_wait3A_1917 = arith.constant 0 : i32
        %dma_wait3A_1918 = tpu.memref_slice %arg4[%dma_wait3A_1914, %dma_wait3A_1915, %dma_wait3A_1916, %dma_wait3A_1917] : memref<8x96x224x224xf32, #tpu.memory_space<hbm>> -> memref<1x1x56x224xf32, #tpu.memory_space<hbm>>
        tpu.wait_dma2 semaphore(%arg28 : memref<!tpu.dma_semaphore, #tpu.memory_space<semaphore_mem>>) src(%arg12 : memref<1x1x56x224xf32, #tpu.memory_space<vmem>>) dst(%dma_wait3A_1918 : memref<1x1x56x224xf32, #tpu.memory_space<hbm>>)
      } else {
      }
      %dma_start3A_825 = arith.constant 0 : i32
      %dma_start3A_826 = tpu.memref_slice %arg3[%select_n3A_804, %reduce_max3A_817, %mul3A_819, %dma_start3A_825] : memref<8x96x224x224xf32, #tpu.memory_space<hbm>> -> memref<1x1x56x224xf32, #tpu.memory_space<hbm>>
      %dma_start3A_827 = arith.constant 0 : i32
      %dma_start3A_828 = tpu.memref_slice %arg3[%select_n3A_804, %reduce_max3A_817, %mul3A_819, %dma_start3A_827] : memref<8x96x224x224xf32, #tpu.memory_space<hbm>> -> memref<1x1x56x224xf32, #tpu.memory_space<hbm>>
      tpu.enqueue_dma source(%dma_start3A_828 : memref<1x1x56x224xf32, #tpu.memory_space<hbm>>) target(%arg12 : memref<1x1x56x224xf32, #tpu.memory_space<vmem>>) target_semaphore(%arg20 : memref<!tpu.dma_semaphore, #tpu.memory_space<semaphore_mem>>)
      %mul3A_829 = arith.constant 8 : i32
      %mul3A_830 = arith.muli %scan3A_215, %mul3A_829 : i32
      %add3A_831 = arith.constant 6 : i32
      %add3A_832 = arith.addi %mul3A_830, %add3A_831 : i32
      %jit3A_833 = arith.constant 4 : i32
      %div3A_834 = arith.divsi %add3A_832, %jit3A_833 : i32
      %sign3A_835 = arith.constant 0 : i32
      %sign3A_836 = arith.cmpi sgt, %add3A_832, %sign3A_835 : i32
      %sign3A_837 = arith.extui %sign3A_836 : i1 to i32
      %sign3A_838 = arith.constant 0 : i32
      %sign3A_839 = arith.cmpi slt, %add3A_832, %sign3A_838 : i32
      %sign3A_840 = arith.extui %sign3A_839 : i1 to i32
      %sign3A_841 = arith.subi %sign3A_837, %sign3A_840 : i32
      %sign3A_842 = arith.constant 0 : i32
      %sign3A_843 = arith.cmpi sgt, %jit3A_833, %sign3A_842 : i32
      %sign3A_844 = arith.extui %sign3A_843 : i1 to i32
      %sign3A_845 = arith.constant 0 : i32
      %sign3A_846 = arith.cmpi slt, %jit3A_833, %sign3A_845 : i32
      %sign3A_847 = arith.extui %sign3A_846 : i1 to i32
      %sign3A_848 = arith.subi %sign3A_844, %sign3A_847 : i32
      %ne3A_849 = arith.cmpi ne, %sign3A_841, %sign3A_848 : i32
      %rem3A_850 = arith.remsi %add3A_832, %jit3A_833 : i32
      %ne3A_851 = arith.constant 0 : i32
      %ne3A_852 = arith.cmpi ne, %rem3A_850, %ne3A_851 : i32
      %and3A_853 = arith.andi %ne3A_849, %ne3A_852 : i1
      %sub3A_854 = arith.constant 1 : i32
      %sub3A_855 = arith.subi %div3A_834, %sub3A_854 : i32
      %select_n3A_856 = arith.select %and3A_853, %sub3A_855, %div3A_834 : i32
      %add3A_857 = arith.addi %mul3A_130, %select_n3A_856 : i32
      %jit3A_858 = arith.constant 4 : i32
      %div3A_859 = arith.divsi %add3A_832, %jit3A_858 : i32
      %sign3A_860 = arith.constant 0 : i32
      %sign3A_861 = arith.cmpi sgt, %add3A_832, %sign3A_860 : i32
      %sign3A_862 = arith.extui %sign3A_861 : i1 to i32
      %sign3A_863 = arith.constant 0 : i32
      %sign3A_864 = arith.cmpi slt, %add3A_832, %sign3A_863 : i32
      %sign3A_865 = arith.extui %sign3A_864 : i1 to i32
      %sign3A_866 = arith.subi %sign3A_862, %sign3A_865 : i32
      %sign3A_867 = arith.constant 0 : i32
      %sign3A_868 = arith.cmpi sgt, %jit3A_858, %sign3A_867 : i32
      %sign3A_869 = arith.extui %sign3A_868 : i1 to i32
      %sign3A_870 = arith.constant 0 : i32
      %sign3A_871 = arith.cmpi slt, %jit3A_858, %sign3A_870 : i32
      %sign3A_872 = arith.extui %sign3A_871 : i1 to i32
      %sign3A_873 = arith.subi %sign3A_869, %sign3A_872 : i32
      %ne3A_874 = arith.cmpi ne, %sign3A_866, %sign3A_873 : i32
      %rem3A_875 = arith.remsi %add3A_832, %jit3A_858 : i32
      %ne3A_876 = arith.constant 0 : i32
      %ne3A_877 = arith.cmpi ne, %rem3A_875, %ne3A_876 : i32
      %and3A_878 = arith.andi %ne3A_874, %ne3A_877 : i1
      %sub3A_879 = arith.constant 1 : i32
      %sub3A_880 = arith.subi %div3A_859, %sub3A_879 : i32
      %select_n3A_881 = arith.select %and3A_878, %sub3A_880, %div3A_859 : i32
      %mul3A_882 = arith.constant 4 : i32
      %mul3A_883 = arith.muli %select_n3A_881, %mul3A_882 : i32
      %sub3A_884 = arith.subi %add3A_832, %mul3A_883 : i32
      %jit3A_885 = arith.constant 96 : i32
      %div3A_886 = arith.divsi %add3A_857, %jit3A_885 : i32
      %sign3A_887 = arith.constant 0 : i32
      %sign3A_888 = arith.cmpi sgt, %add3A_857, %sign3A_887 : i32
      %sign3A_889 = arith.extui %sign3A_888 : i1 to i32
      %sign3A_890 = arith.constant 0 : i32
      %sign3A_891 = arith.cmpi slt, %add3A_857, %sign3A_890 : i32
      %sign3A_892 = arith.extui %sign3A_891 : i1 to i32
      %sign3A_893 = arith.subi %sign3A_889, %sign3A_892 : i32
      %sign3A_894 = arith.constant 0 : i32
      %sign3A_895 = arith.cmpi sgt, %jit3A_885, %sign3A_894 : i32
      %sign3A_896 = arith.extui %sign3A_895 : i1 to i32
      %sign3A_897 = arith.constant 0 : i32
      %sign3A_898 = arith.cmpi slt, %jit3A_885, %sign3A_897 : i32
      %sign3A_899 = arith.extui %sign3A_898 : i1 to i32
      %sign3A_900 = arith.subi %sign3A_896, %sign3A_899 : i32
      %ne3A_901 = arith.cmpi ne, %sign3A_893, %sign3A_900 : i32
      %rem3A_902 = arith.remsi %add3A_857, %jit3A_885 : i32
      %ne3A_903 = arith.constant 0 : i32
      %ne3A_904 = arith.cmpi ne, %rem3A_902, %ne3A_903 : i32
      %and3A_905 = arith.andi %ne3A_901, %ne3A_904 : i1
      %sub3A_906 = arith.constant 1 : i32
      %sub3A_907 = arith.subi %div3A_886, %sub3A_906 : i32
      %select_n3A_908 = arith.select %and3A_905, %sub3A_907, %div3A_886 : i32
      %mul3A_909 = arith.constant 96 : i32
      %mul3A_910 = arith.muli %select_n3A_908, %mul3A_909 : i32
      %sub3A_911 = arith.subi %add3A_857, %mul3A_910 : i32
      %broadcast_in_dim3A_912 = vector.broadcast %sub3A_911 : i32 to vector<16xi32>
      %gather3A_913 = tpu.vector_load_idx %arg6[%broadcast_in_dim3A_912] : memref<96xi32, #tpu.memory_space<vmem>>[vector<16xi32>], vector<16xi32>,
      %reduce_max3A_914 = arith.constant true
      %reduce_max3A_915 = vector.broadcast %reduce_max3A_914 : i1 to vector<16xi1>
      %reduce_max3A_916 = arith.constant -2147483648 : i32
      %reduce_max3A_917 = vector.broadcast %reduce_max3A_916 : i32 to vector<16xi32>
      %reduce_max3A_918 = arith.xori %gather3A_913, %reduce_max3A_917 : vector<16xi32>
      %reduce_max3A_919 = tpu.scan <max>, %reduce_max3A_918 masked %reduce_max3A_915 : vector<16xi32>, vector<16xi1> -> vector<16xi32>
      %reduce_max3A_920 = arith.xori %reduce_max3A_919, %reduce_max3A_917 : vector<16xi32>
      %reduce_max3A_921 = vector.extract %reduce_max3A_920[15] : i32 from vector<16xi32>
      %mul3A_922 = arith.constant 56 : i32
      %mul3A_923 = arith.muli %sub3A_884, %mul3A_922 : i32
      %gt3A_924 = arith.constant 0 : i32
      %gt3A_925 = arith.cmpi sgt, %scan3A_215, %gt3A_924 : i32
      %convert_element_type3A_926 = arith.extui %gt3A_925 : i1 to i32
      %cond3A_927 = arith.constant 0 : i32
      %cond3A_928 = arith.cmpi ne, %convert_element_type3A_926, %cond3A_927 : i32
      scf.if %cond3A_928 {
        %dma_wait3A_1909 = arith.constant 0 : i32
        %dma_wait3A_1910 = arith.constant 0 : i32
        %dma_wait3A_1911 = arith.constant 0 : i32
        %dma_wait3A_1912 = arith.constant 0 : i32
        %dma_wait3A_1913 = tpu.memref_slice %arg4[%dma_wait3A_1909, %dma_wait3A_1910, %dma_wait3A_1911, %dma_wait3A_1912] : memref<8x96x224x224xf32, #tpu.memory_space<hbm>> -> memref<1x1x56x224xf32, #tpu.memory_space<hbm>>
        %dma_wait3A_1914 = arith.constant 0 : i32
        %dma_wait3A_1915 = arith.constant 0 : i32
        %dma_wait3A_1916 = arith.constant 0 : i32
        %dma_wait3A_1917 = arith.constant 0 : i32
        %dma_wait3A_1918 = tpu.memref_slice %arg4[%dma_wait3A_1914, %dma_wait3A_1915, %dma_wait3A_1916, %dma_wait3A_1917] : memref<8x96x224x224xf32, #tpu.memory_space<hbm>> -> memref<1x1x56x224xf32, #tpu.memory_space<hbm>>
        tpu.wait_dma2 semaphore(%arg29 : memref<!tpu.dma_semaphore, #tpu.memory_space<semaphore_mem>>) src(%arg13 : memref<1x1x56x224xf32, #tpu.memory_space<vmem>>) dst(%dma_wait3A_1918 : memref<1x1x56x224xf32, #tpu.memory_space<hbm>>)
      } else {
      }
      %dma_start3A_929 = arith.constant 0 : i32
      %dma_start3A_930 = tpu.memref_slice %arg3[%select_n3A_908, %reduce_max3A_921, %mul3A_923, %dma_start3A_929] : memref<8x96x224x224xf32, #tpu.memory_space<hbm>> -> memref<1x1x56x224xf32, #tpu.memory_space<hbm>>
      %dma_start3A_931 = arith.constant 0 : i32
      %dma_start3A_932 = tpu.memref_slice %arg3[%select_n3A_908, %reduce_max3A_921, %mul3A_923, %dma_start3A_931] : memref<8x96x224x224xf32, #tpu.memory_space<hbm>> -> memref<1x1x56x224xf32, #tpu.memory_space<hbm>>
      tpu.enqueue_dma source(%dma_start3A_932 : memref<1x1x56x224xf32, #tpu.memory_space<hbm>>) target(%arg13 : memref<1x1x56x224xf32, #tpu.memory_space<vmem>>) target_semaphore(%arg21 : memref<!tpu.dma_semaphore, #tpu.memory_space<semaphore_mem>>)
      %mul3A_933 = arith.constant 8 : i32
      %mul3A_934 = arith.muli %scan3A_215, %mul3A_933 : i32
      %add3A_935 = arith.constant 7 : i32
      %add3A_936 = arith.addi %mul3A_934, %add3A_935 : i32
      %jit3A_937 = arith.constant 4 : i32
      %div3A_938 = arith.divsi %add3A_936, %jit3A_937 : i32
      %sign3A_939 = arith.constant 0 : i32
      %sign3A_940 = arith.cmpi sgt, %add3A_936, %sign3A_939 : i32
      %sign3A_941 = arith.extui %sign3A_940 : i1 to i32
      %sign3A_942 = arith.constant 0 : i32
      %sign3A_943 = arith.cmpi slt, %add3A_936, %sign3A_942 : i32
      %sign3A_944 = arith.extui %sign3A_943 : i1 to i32
      %sign3A_945 = arith.subi %sign3A_941, %sign3A_944 : i32
      %sign3A_946 = arith.constant 0 : i32
      %sign3A_947 = arith.cmpi sgt, %jit3A_937, %sign3A_946 : i32
      %sign3A_948 = arith.extui %sign3A_947 : i1 to i32
      %sign3A_949 = arith.constant 0 : i32
      %sign3A_950 = arith.cmpi slt, %jit3A_937, %sign3A_949 : i32
      %sign3A_951 = arith.extui %sign3A_950 : i1 to i32
      %sign3A_952 = arith.subi %sign3A_948, %sign3A_951 : i32
      %ne3A_953 = arith.cmpi ne, %sign3A_945, %sign3A_952 : i32
      %rem3A_954 = arith.remsi %add3A_936, %jit3A_937 : i32
      %ne3A_955 = arith.constant 0 : i32
      %ne3A_956 = arith.cmpi ne, %rem3A_954, %ne3A_955 : i32
      %and3A_957 = arith.andi %ne3A_953, %ne3A_956 : i1
      %sub3A_958 = arith.constant 1 : i32
      %sub3A_959 = arith.subi %div3A_938, %sub3A_958 : i32
      %select_n3A_960 = arith.select %and3A_957, %sub3A_959, %div3A_938 : i32
      %add3A_961 = arith.addi %mul3A_130, %select_n3A_960 : i32
      %jit3A_962 = arith.constant 4 : i32
      %div3A_963 = arith.divsi %add3A_936, %jit3A_962 : i32
      %sign3A_964 = arith.constant 0 : i32
      %sign3A_965 = arith.cmpi sgt, %add3A_936, %sign3A_964 : i32
      %sign3A_966 = arith.extui %sign3A_965 : i1 to i32
      %sign3A_967 = arith.constant 0 : i32
      %sign3A_968 = arith.cmpi slt, %add3A_936, %sign3A_967 : i32
      %sign3A_969 = arith.extui %sign3A_968 : i1 to i32
      %sign3A_970 = arith.subi %sign3A_966, %sign3A_969 : i32
      %sign3A_971 = arith.constant 0 : i32
      %sign3A_972 = arith.cmpi sgt, %jit3A_962, %sign3A_971 : i32
      %sign3A_973 = arith.extui %sign3A_972 : i1 to i32
      %sign3A_974 = arith.constant 0 : i32
      %sign3A_975 = arith.cmpi slt, %jit3A_962, %sign3A_974 : i32
      %sign3A_976 = arith.extui %sign3A_975 : i1 to i32
      %sign3A_977 = arith.subi %sign3A_973, %sign3A_976 : i32
      %ne3A_978 = arith.cmpi ne, %sign3A_970, %sign3A_977 : i32
      %rem3A_979 = arith.remsi %add3A_936, %jit3A_962 : i32
      %ne3A_980 = arith.constant 0 : i32
      %ne3A_981 = arith.cmpi ne, %rem3A_979, %ne3A_980 : i32
      %and3A_982 = arith.andi %ne3A_978, %ne3A_981 : i1
      %sub3A_983 = arith.constant 1 : i32
      %sub3A_984 = arith.subi %div3A_963, %sub3A_983 : i32
      %select_n3A_985 = arith.select %and3A_982, %sub3A_984, %div3A_963 : i32
      %mul3A_986 = arith.constant 4 : i32
      %mul3A_987 = arith.muli %select_n3A_985, %mul3A_986 : i32
      %sub3A_988 = arith.subi %add3A_936, %mul3A_987 : i32
      %jit3A_989 = arith.constant 96 : i32
      %div3A_990 = arith.divsi %add3A_961, %jit3A_989 : i32
      %sign3A_991 = arith.constant 0 : i32
      %sign3A_992 = arith.cmpi sgt, %add3A_961, %sign3A_991 : i32
      %sign3A_993 = arith.extui %sign3A_992 : i1 to i32
      %sign3A_994 = arith.constant 0 : i32
      %sign3A_995 = arith.cmpi slt, %add3A_961, %sign3A_994 : i32
      %sign3A_996 = arith.extui %sign3A_995 : i1 to i32
      %sign3A_997 = arith.subi %sign3A_993, %sign3A_996 : i32
      %sign3A_998 = arith.constant 0 : i32
      %sign3A_999 = arith.cmpi sgt, %jit3A_989, %sign3A_998 : i32
      %sign3A_1000 = arith.extui %sign3A_999 : i1 to i32
      %sign3A_1001 = arith.constant 0 : i32
      %sign3A_1002 = arith.cmpi slt, %jit3A_989, %sign3A_1001 : i32
      %sign3A_1003 = arith.extui %sign3A_1002 : i1 to i32
      %sign3A_1004 = arith.subi %sign3A_1000, %sign3A_1003 : i32
      %ne3A_1005 = arith.cmpi ne, %sign3A_997, %sign3A_1004 : i32
      %rem3A_1006 = arith.remsi %add3A_961, %jit3A_989 : i32
      %ne3A_1007 = arith.constant 0 : i32
      %ne3A_1008 = arith.cmpi ne, %rem3A_1006, %ne3A_1007 : i32
      %and3A_1009 = arith.andi %ne3A_1005, %ne3A_1008 : i1
      %sub3A_1010 = arith.constant 1 : i32
      %sub3A_1011 = arith.subi %div3A_990, %sub3A_1010 : i32
      %select_n3A_1012 = arith.select %and3A_1009, %sub3A_1011, %div3A_990 : i32
      %mul3A_1013 = arith.constant 96 : i32
      %mul3A_1014 = arith.muli %select_n3A_1012, %mul3A_1013 : i32
      %sub3A_1015 = arith.subi %add3A_961, %mul3A_1014 : i32
      %broadcast_in_dim3A_1016 = vector.broadcast %sub3A_1015 : i32 to vector<16xi32>
      %gather3A_1017 = tpu.vector_load_idx %arg6[%broadcast_in_dim3A_1016] : memref<96xi32, #tpu.memory_space<vmem>>[vector<16xi32>], vector<16xi32>,
      %reduce_max3A_1018 = arith.constant true
      %reduce_max3A_1019 = vector.broadcast %reduce_max3A_1018 : i1 to vector<16xi1>
      %reduce_max3A_1020 = arith.constant -2147483648 : i32
      %reduce_max3A_1021 = vector.broadcast %reduce_max3A_1020 : i32 to vector<16xi32>
      %reduce_max3A_1022 = arith.xori %gather3A_1017, %reduce_max3A_1021 : vector<16xi32>
      %reduce_max3A_1023 = tpu.scan <max>, %reduce_max3A_1022 masked %reduce_max3A_1019 : vector<16xi32>, vector<16xi1> -> vector<16xi32>
      %reduce_max3A_1024 = arith.xori %reduce_max3A_1023, %reduce_max3A_1021 : vector<16xi32>
      %reduce_max3A_1025 = vector.extract %reduce_max3A_1024[15] : i32 from vector<16xi32>
      %mul3A_1026 = arith.constant 56 : i32
      %mul3A_1027 = arith.muli %sub3A_988, %mul3A_1026 : i32
      %gt3A_1028 = arith.constant 0 : i32
      %gt3A_1029 = arith.cmpi sgt, %scan3A_215, %gt3A_1028 : i32
      %convert_element_type3A_1030 = arith.extui %gt3A_1029 : i1 to i32
      %cond3A_1031 = arith.constant 0 : i32
      %cond3A_1032 = arith.cmpi ne, %convert_element_type3A_1030, %cond3A_1031 : i32
      scf.if %cond3A_1032 {
        %dma_wait3A_1909 = arith.constant 0 : i32
        %dma_wait3A_1910 = arith.constant 0 : i32
        %dma_wait3A_1911 = arith.constant 0 : i32
        %dma_wait3A_1912 = arith.constant 0 : i32
        %dma_wait3A_1913 = tpu.memref_slice %arg4[%dma_wait3A_1909, %dma_wait3A_1910, %dma_wait3A_1911, %dma_wait3A_1912] : memref<8x96x224x224xf32, #tpu.memory_space<hbm>> -> memref<1x1x56x224xf32, #tpu.memory_space<hbm>>
        %dma_wait3A_1914 = arith.constant 0 : i32
        %dma_wait3A_1915 = arith.constant 0 : i32
        %dma_wait3A_1916 = arith.constant 0 : i32
        %dma_wait3A_1917 = arith.constant 0 : i32
        %dma_wait3A_1918 = tpu.memref_slice %arg4[%dma_wait3A_1914, %dma_wait3A_1915, %dma_wait3A_1916, %dma_wait3A_1917] : memref<8x96x224x224xf32, #tpu.memory_space<hbm>> -> memref<1x1x56x224xf32, #tpu.memory_space<hbm>>
        tpu.wait_dma2 semaphore(%arg30 : memref<!tpu.dma_semaphore, #tpu.memory_space<semaphore_mem>>) src(%arg14 : memref<1x1x56x224xf32, #tpu.memory_space<vmem>>) dst(%dma_wait3A_1918 : memref<1x1x56x224xf32, #tpu.memory_space<hbm>>)
      } else {
      }
      %dma_start3A_1033 = arith.constant 0 : i32
      %dma_start3A_1034 = tpu.memref_slice %arg3[%select_n3A_1012, %reduce_max3A_1025, %mul3A_1027, %dma_start3A_1033] : memref<8x96x224x224xf32, #tpu.memory_space<hbm>> -> memref<1x1x56x224xf32, #tpu.memory_space<hbm>>
      %dma_start3A_1035 = arith.constant 0 : i32
      %dma_start3A_1036 = tpu.memref_slice %arg3[%select_n3A_1012, %reduce_max3A_1025, %mul3A_1027, %dma_start3A_1035] : memref<8x96x224x224xf32, #tpu.memory_space<hbm>> -> memref<1x1x56x224xf32, #tpu.memory_space<hbm>>
      tpu.enqueue_dma source(%dma_start3A_1036 : memref<1x1x56x224xf32, #tpu.memory_space<hbm>>) target(%arg14 : memref<1x1x56x224xf32, #tpu.memory_space<vmem>>) target_semaphore(%arg22 : memref<!tpu.dma_semaphore, #tpu.memory_space<semaphore_mem>>)
      %mul3A_1037 = arith.constant 8 : i32
      %mul3A_1038 = arith.muli %scan3A_215, %mul3A_1037 : i32
      %add3A_1039 = arith.constant 0 : i32
      %add3A_1040 = arith.addi %mul3A_1038, %add3A_1039 : i32
      %jit3A_1041 = arith.constant 4 : i32
      %div3A_1042 = arith.divsi %add3A_1040, %jit3A_1041 : i32
      %sign3A_1043 = arith.constant 0 : i32
      %sign3A_1044 = arith.cmpi sgt, %add3A_1040, %sign3A_1043 : i32
      %sign3A_1045 = arith.extui %sign3A_1044 : i1 to i32
      %sign3A_1046 = arith.constant 0 : i32
      %sign3A_1047 = arith.cmpi slt, %add3A_1040, %sign3A_1046 : i32
      %sign3A_1048 = arith.extui %sign3A_1047 : i1 to i32
      %sign3A_1049 = arith.subi %sign3A_1045, %sign3A_1048 : i32
      %sign3A_1050 = arith.constant 0 : i32
      %sign3A_1051 = arith.cmpi sgt, %jit3A_1041, %sign3A_1050 : i32
      %sign3A_1052 = arith.extui %sign3A_1051 : i1 to i32
      %sign3A_1053 = arith.constant 0 : i32
      %sign3A_1054 = arith.cmpi slt, %jit3A_1041, %sign3A_1053 : i32
      %sign3A_1055 = arith.extui %sign3A_1054 : i1 to i32
      %sign3A_1056 = arith.subi %sign3A_1052, %sign3A_1055 : i32
      %ne3A_1057 = arith.cmpi ne, %sign3A_1049, %sign3A_1056 : i32
      %rem3A_1058 = arith.remsi %add3A_1040, %jit3A_1041 : i32
      %ne3A_1059 = arith.constant 0 : i32
      %ne3A_1060 = arith.cmpi ne, %rem3A_1058, %ne3A_1059 : i32
      %and3A_1061 = arith.andi %ne3A_1057, %ne3A_1060 : i1
      %sub3A_1062 = arith.constant 1 : i32
      %sub3A_1063 = arith.subi %div3A_1042, %sub3A_1062 : i32
      %select_n3A_1064 = arith.select %and3A_1061, %sub3A_1063, %div3A_1042 : i32
      %add3A_1065 = arith.addi %mul3A_130, %select_n3A_1064 : i32
      %jit3A_1066 = arith.constant 4 : i32
      %div3A_1067 = arith.divsi %add3A_1040, %jit3A_1066 : i32
      %sign3A_1068 = arith.constant 0 : i32
      %sign3A_1069 = arith.cmpi sgt, %add3A_1040, %sign3A_1068 : i32
      %sign3A_1070 = arith.extui %sign3A_1069 : i1 to i32
      %sign3A_1071 = arith.constant 0 : i32
      %sign3A_1072 = arith.cmpi slt, %add3A_1040, %sign3A_1071 : i32
      %sign3A_1073 = arith.extui %sign3A_1072 : i1 to i32
      %sign3A_1074 = arith.subi %sign3A_1070, %sign3A_1073 : i32
      %sign3A_1075 = arith.constant 0 : i32
      %sign3A_1076 = arith.cmpi sgt, %jit3A_1066, %sign3A_1075 : i32
      %sign3A_1077 = arith.extui %sign3A_1076 : i1 to i32
      %sign3A_1078 = arith.constant 0 : i32
      %sign3A_1079 = arith.cmpi slt, %jit3A_1066, %sign3A_1078 : i32
      %sign3A_1080 = arith.extui %sign3A_1079 : i1 to i32
      %sign3A_1081 = arith.subi %sign3A_1077, %sign3A_1080 : i32
      %ne3A_1082 = arith.cmpi ne, %sign3A_1074, %sign3A_1081 : i32
      %rem3A_1083 = arith.remsi %add3A_1040, %jit3A_1066 : i32
      %ne3A_1084 = arith.constant 0 : i32
      %ne3A_1085 = arith.cmpi ne, %rem3A_1083, %ne3A_1084 : i32
      %and3A_1086 = arith.andi %ne3A_1082, %ne3A_1085 : i1
      %sub3A_1087 = arith.constant 1 : i32
      %sub3A_1088 = arith.subi %div3A_1067, %sub3A_1087 : i32
      %select_n3A_1089 = arith.select %and3A_1086, %sub3A_1088, %div3A_1067 : i32
      %mul3A_1090 = arith.constant 4 : i32
      %mul3A_1091 = arith.muli %select_n3A_1089, %mul3A_1090 : i32
      %sub3A_1092 = arith.subi %add3A_1040, %mul3A_1091 : i32
      %jit3A_1093 = arith.constant 96 : i32
      %div3A_1094 = arith.divsi %add3A_1065, %jit3A_1093 : i32
      %sign3A_1095 = arith.constant 0 : i32
      %sign3A_1096 = arith.cmpi sgt, %add3A_1065, %sign3A_1095 : i32
      %sign3A_1097 = arith.extui %sign3A_1096 : i1 to i32
      %sign3A_1098 = arith.constant 0 : i32
      %sign3A_1099 = arith.cmpi slt, %add3A_1065, %sign3A_1098 : i32
      %sign3A_1100 = arith.extui %sign3A_1099 : i1 to i32
      %sign3A_1101 = arith.subi %sign3A_1097, %sign3A_1100 : i32
      %sign3A_1102 = arith.constant 0 : i32
      %sign3A_1103 = arith.cmpi sgt, %jit3A_1093, %sign3A_1102 : i32
      %sign3A_1104 = arith.extui %sign3A_1103 : i1 to i32
      %sign3A_1105 = arith.constant 0 : i32
      %sign3A_1106 = arith.cmpi slt, %jit3A_1093, %sign3A_1105 : i32
      %sign3A_1107 = arith.extui %sign3A_1106 : i1 to i32
      %sign3A_1108 = arith.subi %sign3A_1104, %sign3A_1107 : i32
      %ne3A_1109 = arith.cmpi ne, %sign3A_1101, %sign3A_1108 : i32
      %rem3A_1110 = arith.remsi %add3A_1065, %jit3A_1093 : i32
      %ne3A_1111 = arith.constant 0 : i32
      %ne3A_1112 = arith.cmpi ne, %rem3A_1110, %ne3A_1111 : i32
      %and3A_1113 = arith.andi %ne3A_1109, %ne3A_1112 : i1
      %sub3A_1114 = arith.constant 1 : i32
      %sub3A_1115 = arith.subi %div3A_1094, %sub3A_1114 : i32
      %select_n3A_1116 = arith.select %and3A_1113, %sub3A_1115, %div3A_1094 : i32
      %mul3A_1117 = arith.constant 96 : i32
      %mul3A_1118 = arith.muli %select_n3A_1116, %mul3A_1117 : i32
      %sub3A_1119 = arith.subi %add3A_1065, %mul3A_1118 : i32
      %broadcast_in_dim3A_1120 = vector.broadcast %sub3A_1119 : i32 to vector<16xi32>
      %gather3A_1121 = tpu.vector_load_idx %arg6[%broadcast_in_dim3A_1120] : memref<96xi32, #tpu.memory_space<vmem>>[vector<16xi32>], vector<16xi32>,
      %reduce_max3A_1122 = arith.constant true
      %reduce_max3A_1123 = vector.broadcast %reduce_max3A_1122 : i1 to vector<16xi1>
      %reduce_max3A_1124 = arith.constant -2147483648 : i32
      %reduce_max3A_1125 = vector.broadcast %reduce_max3A_1124 : i32 to vector<16xi32>
      %reduce_max3A_1126 = arith.xori %gather3A_1121, %reduce_max3A_1125 : vector<16xi32>
      %reduce_max3A_1127 = tpu.scan <max>, %reduce_max3A_1126 masked %reduce_max3A_1123 : vector<16xi32>, vector<16xi1> -> vector<16xi32>
      %reduce_max3A_1128 = arith.xori %reduce_max3A_1127, %reduce_max3A_1125 : vector<16xi32>
      %reduce_max3A_1129 = vector.extract %reduce_max3A_1128[15] : i32 from vector<16xi32>
      %mul3A_1130 = arith.constant 56 : i32
      %mul3A_1131 = arith.muli %sub3A_1092, %mul3A_1130 : i32
      %dma_wait3A_1132 = arith.constant 0 : i32
      %dma_wait3A_1133 = arith.constant 0 : i32
      %dma_wait3A_1134 = arith.constant 0 : i32
      %dma_wait3A_1135 = arith.constant 0 : i32
      %dma_wait3A_1136 = tpu.memref_slice %arg3[%dma_wait3A_1132, %dma_wait3A_1133, %dma_wait3A_1134, %dma_wait3A_1135] : memref<8x96x224x224xf32, #tpu.memory_space<hbm>> -> memref<1x1x56x224xf32, #tpu.memory_space<hbm>>
      %dma_wait3A_1137 = arith.constant 0 : i32
      %dma_wait3A_1138 = arith.constant 0 : i32
      %dma_wait3A_1139 = arith.constant 0 : i32
      %dma_wait3A_1140 = arith.constant 0 : i32
      %dma_wait3A_1141 = tpu.memref_slice %arg3[%dma_wait3A_1137, %dma_wait3A_1138, %dma_wait3A_1139, %dma_wait3A_1140] : memref<8x96x224x224xf32, #tpu.memory_space<hbm>> -> memref<1x1x56x224xf32, #tpu.memory_space<hbm>>
      tpu.wait_dma2 semaphore(%arg15 : memref<!tpu.dma_semaphore, #tpu.memory_space<semaphore_mem>>) src(%dma_wait3A_1141 : memref<1x1x56x224xf32, #tpu.memory_space<hbm>>) dst(%arg7 : memref<1x1x56x224xf32, #tpu.memory_space<vmem>>)
      %dma_start3A_1142 = arith.constant 0 : i32
      %dma_start3A_1143 = tpu.memref_slice %arg4[%select_n3A_1116, %sub3A_1119, %mul3A_1131, %dma_start3A_1142] : memref<8x96x224x224xf32, #tpu.memory_space<hbm>> -> memref<1x1x56x224xf32, #tpu.memory_space<hbm>>
      %dma_start3A_1144 = arith.constant 0 : i32
      %dma_start3A_1145 = tpu.memref_slice %arg4[%select_n3A_1116, %sub3A_1119, %mul3A_1131, %dma_start3A_1144] : memref<8x96x224x224xf32, #tpu.memory_space<hbm>> -> memref<1x1x56x224xf32, #tpu.memory_space<hbm>>
      tpu.enqueue_dma source(%arg7 : memref<1x1x56x224xf32, #tpu.memory_space<vmem>>) target(%dma_start3A_1145 : memref<1x1x56x224xf32, #tpu.memory_space<hbm>>) target_semaphore(%arg23 : memref<!tpu.dma_semaphore, #tpu.memory_space<semaphore_mem>>)
      %mul3A_1146 = arith.constant 8 : i32
      %mul3A_1147 = arith.muli %scan3A_215, %mul3A_1146 : i32
      %add3A_1148 = arith.constant 1 : i32
      %add3A_1149 = arith.addi %mul3A_1147, %add3A_1148 : i32
      %jit3A_1150 = arith.constant 4 : i32
      %div3A_1151 = arith.divsi %add3A_1149, %jit3A_1150 : i32
      %sign3A_1152 = arith.constant 0 : i32
      %sign3A_1153 = arith.cmpi sgt, %add3A_1149, %sign3A_1152 : i32
      %sign3A_1154 = arith.extui %sign3A_1153 : i1 to i32
      %sign3A_1155 = arith.constant 0 : i32
      %sign3A_1156 = arith.cmpi slt, %add3A_1149, %sign3A_1155 : i32
      %sign3A_1157 = arith.extui %sign3A_1156 : i1 to i32
      %sign3A_1158 = arith.subi %sign3A_1154, %sign3A_1157 : i32
      %sign3A_1159 = arith.constant 0 : i32
      %sign3A_1160 = arith.cmpi sgt, %jit3A_1150, %sign3A_1159 : i32
      %sign3A_1161 = arith.extui %sign3A_1160 : i1 to i32
      %sign3A_1162 = arith.constant 0 : i32
      %sign3A_1163 = arith.cmpi slt, %jit3A_1150, %sign3A_1162 : i32
      %sign3A_1164 = arith.extui %sign3A_1163 : i1 to i32
      %sign3A_1165 = arith.subi %sign3A_1161, %sign3A_1164 : i32
      %ne3A_1166 = arith.cmpi ne, %sign3A_1158, %sign3A_1165 : i32
      %rem3A_1167 = arith.remsi %add3A_1149, %jit3A_1150 : i32
      %ne3A_1168 = arith.constant 0 : i32
      %ne3A_1169 = arith.cmpi ne, %rem3A_1167, %ne3A_1168 : i32
      %and3A_1170 = arith.andi %ne3A_1166, %ne3A_1169 : i1
      %sub3A_1171 = arith.constant 1 : i32
      %sub3A_1172 = arith.subi %div3A_1151, %sub3A_1171 : i32
      %select_n3A_1173 = arith.select %and3A_1170, %sub3A_1172, %div3A_1151 : i32
      %add3A_1174 = arith.addi %mul3A_130, %select_n3A_1173 : i32
      %jit3A_1175 = arith.constant 4 : i32
      %div3A_1176 = arith.divsi %add3A_1149, %jit3A_1175 : i32
      %sign3A_1177 = arith.constant 0 : i32
      %sign3A_1178 = arith.cmpi sgt, %add3A_1149, %sign3A_1177 : i32
      %sign3A_1179 = arith.extui %sign3A_1178 : i1 to i32
      %sign3A_1180 = arith.constant 0 : i32
      %sign3A_1181 = arith.cmpi slt, %add3A_1149, %sign3A_1180 : i32
      %sign3A_1182 = arith.extui %sign3A_1181 : i1 to i32
      %sign3A_1183 = arith.subi %sign3A_1179, %sign3A_1182 : i32
      %sign3A_1184 = arith.constant 0 : i32
      %sign3A_1185 = arith.cmpi sgt, %jit3A_1175, %sign3A_1184 : i32
      %sign3A_1186 = arith.extui %sign3A_1185 : i1 to i32
      %sign3A_1187 = arith.constant 0 : i32
      %sign3A_1188 = arith.cmpi slt, %jit3A_1175, %sign3A_1187 : i32
      %sign3A_1189 = arith.extui %sign3A_1188 : i1 to i32
      %sign3A_1190 = arith.subi %sign3A_1186, %sign3A_1189 : i32
      %ne3A_1191 = arith.cmpi ne, %sign3A_1183, %sign3A_1190 : i32
      %rem3A_1192 = arith.remsi %add3A_1149, %jit3A_1175 : i32
      %ne3A_1193 = arith.constant 0 : i32
      %ne3A_1194 = arith.cmpi ne, %rem3A_1192, %ne3A_1193 : i32
      %and3A_1195 = arith.andi %ne3A_1191, %ne3A_1194 : i1
      %sub3A_1196 = arith.constant 1 : i32
      %sub3A_1197 = arith.subi %div3A_1176, %sub3A_1196 : i32
      %select_n3A_1198 = arith.select %and3A_1195, %sub3A_1197, %div3A_1176 : i32
      %mul3A_1199 = arith.constant 4 : i32
      %mul3A_1200 = arith.muli %select_n3A_1198, %mul3A_1199 : i32
      %sub3A_1201 = arith.subi %add3A_1149, %mul3A_1200 : i32
      %jit3A_1202 = arith.constant 96 : i32
      %div3A_1203 = arith.divsi %add3A_1174, %jit3A_1202 : i32
      %sign3A_1204 = arith.constant 0 : i32
      %sign3A_1205 = arith.cmpi sgt, %add3A_1174, %sign3A_1204 : i32
      %sign3A_1206 = arith.extui %sign3A_1205 : i1 to i32
      %sign3A_1207 = arith.constant 0 : i32
      %sign3A_1208 = arith.cmpi slt, %add3A_1174, %sign3A_1207 : i32
      %sign3A_1209 = arith.extui %sign3A_1208 : i1 to i32
      %sign3A_1210 = arith.subi %sign3A_1206, %sign3A_1209 : i32
      %sign3A_1211 = arith.constant 0 : i32
      %sign3A_1212 = arith.cmpi sgt, %jit3A_1202, %sign3A_1211 : i32
      %sign3A_1213 = arith.extui %sign3A_1212 : i1 to i32
      %sign3A_1214 = arith.constant 0 : i32
      %sign3A_1215 = arith.cmpi slt, %jit3A_1202, %sign3A_1214 : i32
      %sign3A_1216 = arith.extui %sign3A_1215 : i1 to i32
      %sign3A_1217 = arith.subi %sign3A_1213, %sign3A_1216 : i32
      %ne3A_1218 = arith.cmpi ne, %sign3A_1210, %sign3A_1217 : i32
      %rem3A_1219 = arith.remsi %add3A_1174, %jit3A_1202 : i32
      %ne3A_1220 = arith.constant 0 : i32
      %ne3A_1221 = arith.cmpi ne, %rem3A_1219, %ne3A_1220 : i32
      %and3A_1222 = arith.andi %ne3A_1218, %ne3A_1221 : i1
      %sub3A_1223 = arith.constant 1 : i32
      %sub3A_1224 = arith.subi %div3A_1203, %sub3A_1223 : i32
      %select_n3A_1225 = arith.select %and3A_1222, %sub3A_1224, %div3A_1203 : i32
      %mul3A_1226 = arith.constant 96 : i32
      %mul3A_1227 = arith.muli %select_n3A_1225, %mul3A_1226 : i32
      %sub3A_1228 = arith.subi %add3A_1174, %mul3A_1227 : i32
      %broadcast_in_dim3A_1229 = vector.broadcast %sub3A_1228 : i32 to vector<16xi32>
      %gather3A_1230 = tpu.vector_load_idx %arg6[%broadcast_in_dim3A_1229] : memref<96xi32, #tpu.memory_space<vmem>>[vector<16xi32>], vector<16xi32>,
      %reduce_max3A_1231 = arith.constant true
      %reduce_max3A_1232 = vector.broadcast %reduce_max3A_1231 : i1 to vector<16xi1>
      %reduce_max3A_1233 = arith.constant -2147483648 : i32
      %reduce_max3A_1234 = vector.broadcast %reduce_max3A_1233 : i32 to vector<16xi32>
      %reduce_max3A_1235 = arith.xori %gather3A_1230, %reduce_max3A_1234 : vector<16xi32>
      %reduce_max3A_1236 = tpu.scan <max>, %reduce_max3A_1235 masked %reduce_max3A_1232 : vector<16xi32>, vector<16xi1> -> vector<16xi32>
      %reduce_max3A_1237 = arith.xori %reduce_max3A_1236, %reduce_max3A_1234 : vector<16xi32>
      %reduce_max3A_1238 = vector.extract %reduce_max3A_1237[15] : i32 from vector<16xi32>
      %mul3A_1239 = arith.constant 56 : i32
      %mul3A_1240 = arith.muli %sub3A_1201, %mul3A_1239 : i32
      %dma_wait3A_1241 = arith.constant 0 : i32
      %dma_wait3A_1242 = arith.constant 0 : i32
      %dma_wait3A_1243 = arith.constant 0 : i32
      %dma_wait3A_1244 = arith.constant 0 : i32
      %dma_wait3A_1245 = tpu.memref_slice %arg3[%dma_wait3A_1241, %dma_wait3A_1242, %dma_wait3A_1243, %dma_wait3A_1244] : memref<8x96x224x224xf32, #tpu.memory_space<hbm>> -> memref<1x1x56x224xf32, #tpu.memory_space<hbm>>
      %dma_wait3A_1246 = arith.constant 0 : i32
      %dma_wait3A_1247 = arith.constant 0 : i32
      %dma_wait3A_1248 = arith.constant 0 : i32
      %dma_wait3A_1249 = arith.constant 0 : i32
      %dma_wait3A_1250 = tpu.memref_slice %arg3[%dma_wait3A_1246, %dma_wait3A_1247, %dma_wait3A_1248, %dma_wait3A_1249] : memref<8x96x224x224xf32, #tpu.memory_space<hbm>> -> memref<1x1x56x224xf32, #tpu.memory_space<hbm>>
      tpu.wait_dma2 semaphore(%arg16 : memref<!tpu.dma_semaphore, #tpu.memory_space<semaphore_mem>>) src(%dma_wait3A_1250 : memref<1x1x56x224xf32, #tpu.memory_space<hbm>>) dst(%arg8 : memref<1x1x56x224xf32, #tpu.memory_space<vmem>>)
      %dma_start3A_1251 = arith.constant 0 : i32
      %dma_start3A_1252 = tpu.memref_slice %arg4[%select_n3A_1225, %sub3A_1228, %mul3A_1240, %dma_start3A_1251] : memref<8x96x224x224xf32, #tpu.memory_space<hbm>> -> memref<1x1x56x224xf32, #tpu.memory_space<hbm>>
      %dma_start3A_1253 = arith.constant 0 : i32
      %dma_start3A_1254 = tpu.memref_slice %arg4[%select_n3A_1225, %sub3A_1228, %mul3A_1240, %dma_start3A_1253] : memref<8x96x224x224xf32, #tpu.memory_space<hbm>> -> memref<1x1x56x224xf32, #tpu.memory_space<hbm>>
      tpu.enqueue_dma source(%arg8 : memref<1x1x56x224xf32, #tpu.memory_space<vmem>>) target(%dma_start3A_1254 : memref<1x1x56x224xf32, #tpu.memory_space<hbm>>) target_semaphore(%arg24 : memref<!tpu.dma_semaphore, #tpu.memory_space<semaphore_mem>>)
      %mul3A_1255 = arith.constant 8 : i32
      %mul3A_1256 = arith.muli %scan3A_215, %mul3A_1255 : i32
      %add3A_1257 = arith.constant 2 : i32
      %add3A_1258 = arith.addi %mul3A_1256, %add3A_1257 : i32
      %jit3A_1259 = arith.constant 4 : i32
      %div3A_1260 = arith.divsi %add3A_1258, %jit3A_1259 : i32
      %sign3A_1261 = arith.constant 0 : i32
      %sign3A_1262 = arith.cmpi sgt, %add3A_1258, %sign3A_1261 : i32
      %sign3A_1263 = arith.extui %sign3A_1262 : i1 to i32
      %sign3A_1264 = arith.constant 0 : i32
      %sign3A_1265 = arith.cmpi slt, %add3A_1258, %sign3A_1264 : i32
      %sign3A_1266 = arith.extui %sign3A_1265 : i1 to i32
      %sign3A_1267 = arith.subi %sign3A_1263, %sign3A_1266 : i32
      %sign3A_1268 = arith.constant 0 : i32
      %sign3A_1269 = arith.cmpi sgt, %jit3A_1259, %sign3A_1268 : i32
      %sign3A_1270 = arith.extui %sign3A_1269 : i1 to i32
      %sign3A_1271 = arith.constant 0 : i32
      %sign3A_1272 = arith.cmpi slt, %jit3A_1259, %sign3A_1271 : i32
      %sign3A_1273 = arith.extui %sign3A_1272 : i1 to i32
      %sign3A_1274 = arith.subi %sign3A_1270, %sign3A_1273 : i32
      %ne3A_1275 = arith.cmpi ne, %sign3A_1267, %sign3A_1274 : i32
      %rem3A_1276 = arith.remsi %add3A_1258, %jit3A_1259 : i32
      %ne3A_1277 = arith.constant 0 : i32
      %ne3A_1278 = arith.cmpi ne, %rem3A_1276, %ne3A_1277 : i32
      %and3A_1279 = arith.andi %ne3A_1275, %ne3A_1278 : i1
      %sub3A_1280 = arith.constant 1 : i32
      %sub3A_1281 = arith.subi %div3A_1260, %sub3A_1280 : i32
      %select_n3A_1282 = arith.select %and3A_1279, %sub3A_1281, %div3A_1260 : i32
      %add3A_1283 = arith.addi %mul3A_130, %select_n3A_1282 : i32
      %jit3A_1284 = arith.constant 4 : i32
      %div3A_1285 = arith.divsi %add3A_1258, %jit3A_1284 : i32
      %sign3A_1286 = arith.constant 0 : i32
      %sign3A_1287 = arith.cmpi sgt, %add3A_1258, %sign3A_1286 : i32
      %sign3A_1288 = arith.extui %sign3A_1287 : i1 to i32
      %sign3A_1289 = arith.constant 0 : i32
      %sign3A_1290 = arith.cmpi slt, %add3A_1258, %sign3A_1289 : i32
      %sign3A_1291 = arith.extui %sign3A_1290 : i1 to i32
      %sign3A_1292 = arith.subi %sign3A_1288, %sign3A_1291 : i32
      %sign3A_1293 = arith.constant 0 : i32
      %sign3A_1294 = arith.cmpi sgt, %jit3A_1284, %sign3A_1293 : i32
      %sign3A_1295 = arith.extui %sign3A_1294 : i1 to i32
      %sign3A_1296 = arith.constant 0 : i32
      %sign3A_1297 = arith.cmpi slt, %jit3A_1284, %sign3A_1296 : i32
      %sign3A_1298 = arith.extui %sign3A_1297 : i1 to i32
      %sign3A_1299 = arith.subi %sign3A_1295, %sign3A_1298 : i32
      %ne3A_1300 = arith.cmpi ne, %sign3A_1292, %sign3A_1299 : i32
      %rem3A_1301 = arith.remsi %add3A_1258, %jit3A_1284 : i32
      %ne3A_1302 = arith.constant 0 : i32
      %ne3A_1303 = arith.cmpi ne, %rem3A_1301, %ne3A_1302 : i32
      %and3A_1304 = arith.andi %ne3A_1300, %ne3A_1303 : i1
      %sub3A_1305 = arith.constant 1 : i32
      %sub3A_1306 = arith.subi %div3A_1285, %sub3A_1305 : i32
      %select_n3A_1307 = arith.select %and3A_1304, %sub3A_1306, %div3A_1285 : i32
      %mul3A_1308 = arith.constant 4 : i32
      %mul3A_1309 = arith.muli %select_n3A_1307, %mul3A_1308 : i32
      %sub3A_1310 = arith.subi %add3A_1258, %mul3A_1309 : i32
      %jit3A_1311 = arith.constant 96 : i32
      %div3A_1312 = arith.divsi %add3A_1283, %jit3A_1311 : i32
      %sign3A_1313 = arith.constant 0 : i32
      %sign3A_1314 = arith.cmpi sgt, %add3A_1283, %sign3A_1313 : i32
      %sign3A_1315 = arith.extui %sign3A_1314 : i1 to i32
      %sign3A_1316 = arith.constant 0 : i32
      %sign3A_1317 = arith.cmpi slt, %add3A_1283, %sign3A_1316 : i32
      %sign3A_1318 = arith.extui %sign3A_1317 : i1 to i32
      %sign3A_1319 = arith.subi %sign3A_1315, %sign3A_1318 : i32
      %sign3A_1320 = arith.constant 0 : i32
      %sign3A_1321 = arith.cmpi sgt, %jit3A_1311, %sign3A_1320 : i32
      %sign3A_1322 = arith.extui %sign3A_1321 : i1 to i32
      %sign3A_1323 = arith.constant 0 : i32
      %sign3A_1324 = arith.cmpi slt, %jit3A_1311, %sign3A_1323 : i32
      %sign3A_1325 = arith.extui %sign3A_1324 : i1 to i32
      %sign3A_1326 = arith.subi %sign3A_1322, %sign3A_1325 : i32
      %ne3A_1327 = arith.cmpi ne, %sign3A_1319, %sign3A_1326 : i32
      %rem3A_1328 = arith.remsi %add3A_1283, %jit3A_1311 : i32
      %ne3A_1329 = arith.constant 0 : i32
      %ne3A_1330 = arith.cmpi ne, %rem3A_1328, %ne3A_1329 : i32
      %and3A_1331 = arith.andi %ne3A_1327, %ne3A_1330 : i1
      %sub3A_1332 = arith.constant 1 : i32
      %sub3A_1333 = arith.subi %div3A_1312, %sub3A_1332 : i32
      %select_n3A_1334 = arith.select %and3A_1331, %sub3A_1333, %div3A_1312 : i32
      %mul3A_1335 = arith.constant 96 : i32
      %mul3A_1336 = arith.muli %select_n3A_1334, %mul3A_1335 : i32
      %sub3A_1337 = arith.subi %add3A_1283, %mul3A_1336 : i32
      %broadcast_in_dim3A_1338 = vector.broadcast %sub3A_1337 : i32 to vector<16xi32>
      %gather3A_1339 = tpu.vector_load_idx %arg6[%broadcast_in_dim3A_1338] : memref<96xi32, #tpu.memory_space<vmem>>[vector<16xi32>], vector<16xi32>,
      %reduce_max3A_1340 = arith.constant true
      %reduce_max3A_1341 = vector.broadcast %reduce_max3A_1340 : i1 to vector<16xi1>
      %reduce_max3A_1342 = arith.constant -2147483648 : i32
      %reduce_max3A_1343 = vector.broadcast %reduce_max3A_1342 : i32 to vector<16xi32>
      %reduce_max3A_1344 = arith.xori %gather3A_1339, %reduce_max3A_1343 : vector<16xi32>
      %reduce_max3A_1345 = tpu.scan <max>, %reduce_max3A_1344 masked %reduce_max3A_1341 : vector<16xi32>, vector<16xi1> -> vector<16xi32>
      %reduce_max3A_1346 = arith.xori %reduce_max3A_1345, %reduce_max3A_1343 : vector<16xi32>
      %reduce_max3A_1347 = vector.extract %reduce_max3A_1346[15] : i32 from vector<16xi32>
      %mul3A_1348 = arith.constant 56 : i32
      %mul3A_1349 = arith.muli %sub3A_1310, %mul3A_1348 : i32
      %dma_wait3A_1350 = arith.constant 0 : i32
      %dma_wait3A_1351 = arith.constant 0 : i32
      %dma_wait3A_1352 = arith.constant 0 : i32
      %dma_wait3A_1353 = arith.constant 0 : i32
      %dma_wait3A_1354 = tpu.memref_slice %arg3[%dma_wait3A_1350, %dma_wait3A_1351, %dma_wait3A_1352, %dma_wait3A_1353] : memref<8x96x224x224xf32, #tpu.memory_space<hbm>> -> memref<1x1x56x224xf32, #tpu.memory_space<hbm>>
      %dma_wait3A_1355 = arith.constant 0 : i32
      %dma_wait3A_1356 = arith.constant 0 : i32
      %dma_wait3A_1357 = arith.constant 0 : i32
      %dma_wait3A_1358 = arith.constant 0 : i32
      %dma_wait3A_1359 = tpu.memref_slice %arg3[%dma_wait3A_1355, %dma_wait3A_1356, %dma_wait3A_1357, %dma_wait3A_1358] : memref<8x96x224x224xf32, #tpu.memory_space<hbm>> -> memref<1x1x56x224xf32, #tpu.memory_space<hbm>>
      tpu.wait_dma2 semaphore(%arg17 : memref<!tpu.dma_semaphore, #tpu.memory_space<semaphore_mem>>) src(%dma_wait3A_1359 : memref<1x1x56x224xf32, #tpu.memory_space<hbm>>) dst(%arg9 : memref<1x1x56x224xf32, #tpu.memory_space<vmem>>)
      %dma_start3A_1360 = arith.constant 0 : i32
      %dma_start3A_1361 = tpu.memref_slice %arg4[%select_n3A_1334, %sub3A_1337, %mul3A_1349, %dma_start3A_1360] : memref<8x96x224x224xf32, #tpu.memory_space<hbm>> -> memref<1x1x56x224xf32, #tpu.memory_space<hbm>>
      %dma_start3A_1362 = arith.constant 0 : i32
      %dma_start3A_1363 = tpu.memref_slice %arg4[%select_n3A_1334, %sub3A_1337, %mul3A_1349, %dma_start3A_1362] : memref<8x96x224x224xf32, #tpu.memory_space<hbm>> -> memref<1x1x56x224xf32, #tpu.memory_space<hbm>>
      tpu.enqueue_dma source(%arg9 : memref<1x1x56x224xf32, #tpu.memory_space<vmem>>) target(%dma_start3A_1363 : memref<1x1x56x224xf32, #tpu.memory_space<hbm>>) target_semaphore(%arg25 : memref<!tpu.dma_semaphore, #tpu.memory_space<semaphore_mem>>)
      %mul3A_1364 = arith.constant 8 : i32
      %mul3A_1365 = arith.muli %scan3A_215, %mul3A_1364 : i32
      %add3A_1366 = arith.constant 3 : i32
      %add3A_1367 = arith.addi %mul3A_1365, %add3A_1366 : i32
      %jit3A_1368 = arith.constant 4 : i32
      %div3A_1369 = arith.divsi %add3A_1367, %jit3A_1368 : i32
      %sign3A_1370 = arith.constant 0 : i32
      %sign3A_1371 = arith.cmpi sgt, %add3A_1367, %sign3A_1370 : i32
      %sign3A_1372 = arith.extui %sign3A_1371 : i1 to i32
      %sign3A_1373 = arith.constant 0 : i32
      %sign3A_1374 = arith.cmpi slt, %add3A_1367, %sign3A_1373 : i32
      %sign3A_1375 = arith.extui %sign3A_1374 : i1 to i32
      %sign3A_1376 = arith.subi %sign3A_1372, %sign3A_1375 : i32
      %sign3A_1377 = arith.constant 0 : i32
      %sign3A_1378 = arith.cmpi sgt, %jit3A_1368, %sign3A_1377 : i32
      %sign3A_1379 = arith.extui %sign3A_1378 : i1 to i32
      %sign3A_1380 = arith.constant 0 : i32
      %sign3A_1381 = arith.cmpi slt, %jit3A_1368, %sign3A_1380 : i32
      %sign3A_1382 = arith.extui %sign3A_1381 : i1 to i32
      %sign3A_1383 = arith.subi %sign3A_1379, %sign3A_1382 : i32
      %ne3A_1384 = arith.cmpi ne, %sign3A_1376, %sign3A_1383 : i32
      %rem3A_1385 = arith.remsi %add3A_1367, %jit3A_1368 : i32
      %ne3A_1386 = arith.constant 0 : i32
      %ne3A_1387 = arith.cmpi ne, %rem3A_1385, %ne3A_1386 : i32
      %and3A_1388 = arith.andi %ne3A_1384, %ne3A_1387 : i1
      %sub3A_1389 = arith.constant 1 : i32
      %sub3A_1390 = arith.subi %div3A_1369, %sub3A_1389 : i32
      %select_n3A_1391 = arith.select %and3A_1388, %sub3A_1390, %div3A_1369 : i32
      %add3A_1392 = arith.addi %mul3A_130, %select_n3A_1391 : i32
      %jit3A_1393 = arith.constant 4 : i32
      %div3A_1394 = arith.divsi %add3A_1367, %jit3A_1393 : i32
      %sign3A_1395 = arith.constant 0 : i32
      %sign3A_1396 = arith.cmpi sgt, %add3A_1367, %sign3A_1395 : i32
      %sign3A_1397 = arith.extui %sign3A_1396 : i1 to i32
      %sign3A_1398 = arith.constant 0 : i32
      %sign3A_1399 = arith.cmpi slt, %add3A_1367, %sign3A_1398 : i32
      %sign3A_1400 = arith.extui %sign3A_1399 : i1 to i32
      %sign3A_1401 = arith.subi %sign3A_1397, %sign3A_1400 : i32
      %sign3A_1402 = arith.constant 0 : i32
      %sign3A_1403 = arith.cmpi sgt, %jit3A_1393, %sign3A_1402 : i32
      %sign3A_1404 = arith.extui %sign3A_1403 : i1 to i32
      %sign3A_1405 = arith.constant 0 : i32
      %sign3A_1406 = arith.cmpi slt, %jit3A_1393, %sign3A_1405 : i32
      %sign3A_1407 = arith.extui %sign3A_1406 : i1 to i32
      %sign3A_1408 = arith.subi %sign3A_1404, %sign3A_1407 : i32
      %ne3A_1409 = arith.cmpi ne, %sign3A_1401, %sign3A_1408 : i32
      %rem3A_1410 = arith.remsi %add3A_1367, %jit3A_1393 : i32
      %ne3A_1411 = arith.constant 0 : i32
      %ne3A_1412 = arith.cmpi ne, %rem3A_1410, %ne3A_1411 : i32
      %and3A_1413 = arith.andi %ne3A_1409, %ne3A_1412 : i1
      %sub3A_1414 = arith.constant 1 : i32
      %sub3A_1415 = arith.subi %div3A_1394, %sub3A_1414 : i32
      %select_n3A_1416 = arith.select %and3A_1413, %sub3A_1415, %div3A_1394 : i32
      %mul3A_1417 = arith.constant 4 : i32
      %mul3A_1418 = arith.muli %select_n3A_1416, %mul3A_1417 : i32
      %sub3A_1419 = arith.subi %add3A_1367, %mul3A_1418 : i32
      %jit3A_1420 = arith.constant 96 : i32
      %div3A_1421 = arith.divsi %add3A_1392, %jit3A_1420 : i32
      %sign3A_1422 = arith.constant 0 : i32
      %sign3A_1423 = arith.cmpi sgt, %add3A_1392, %sign3A_1422 : i32
      %sign3A_1424 = arith.extui %sign3A_1423 : i1 to i32
      %sign3A_1425 = arith.constant 0 : i32
      %sign3A_1426 = arith.cmpi slt, %add3A_1392, %sign3A_1425 : i32
      %sign3A_1427 = arith.extui %sign3A_1426 : i1 to i32
      %sign3A_1428 = arith.subi %sign3A_1424, %sign3A_1427 : i32
      %sign3A_1429 = arith.constant 0 : i32
      %sign3A_1430 = arith.cmpi sgt, %jit3A_1420, %sign3A_1429 : i32
      %sign3A_1431 = arith.extui %sign3A_1430 : i1 to i32
      %sign3A_1432 = arith.constant 0 : i32
      %sign3A_1433 = arith.cmpi slt, %jit3A_1420, %sign3A_1432 : i32
      %sign3A_1434 = arith.extui %sign3A_1433 : i1 to i32
      %sign3A_1435 = arith.subi %sign3A_1431, %sign3A_1434 : i32
      %ne3A_1436 = arith.cmpi ne, %sign3A_1428, %sign3A_1435 : i32
      %rem3A_1437 = arith.remsi %add3A_1392, %jit3A_1420 : i32
      %ne3A_1438 = arith.constant 0 : i32
      %ne3A_1439 = arith.cmpi ne, %rem3A_1437, %ne3A_1438 : i32
      %and3A_1440 = arith.andi %ne3A_1436, %ne3A_1439 : i1
      %sub3A_1441 = arith.constant 1 : i32
      %sub3A_1442 = arith.subi %div3A_1421, %sub3A_1441 : i32
      %select_n3A_1443 = arith.select %and3A_1440, %sub3A_1442, %div3A_1421 : i32
      %mul3A_1444 = arith.constant 96 : i32
      %mul3A_1445 = arith.muli %select_n3A_1443, %mul3A_1444 : i32
      %sub3A_1446 = arith.subi %add3A_1392, %mul3A_1445 : i32
      %broadcast_in_dim3A_1447 = vector.broadcast %sub3A_1446 : i32 to vector<16xi32>
      %gather3A_1448 = tpu.vector_load_idx %arg6[%broadcast_in_dim3A_1447] : memref<96xi32, #tpu.memory_space<vmem>>[vector<16xi32>], vector<16xi32>,
      %reduce_max3A_1449 = arith.constant true
      %reduce_max3A_1450 = vector.broadcast %reduce_max3A_1449 : i1 to vector<16xi1>
      %reduce_max3A_1451 = arith.constant -2147483648 : i32
      %reduce_max3A_1452 = vector.broadcast %reduce_max3A_1451 : i32 to vector<16xi32>
      %reduce_max3A_1453 = arith.xori %gather3A_1448, %reduce_max3A_1452 : vector<16xi32>
      %reduce_max3A_1454 = tpu.scan <max>, %reduce_max3A_1453 masked %reduce_max3A_1450 : vector<16xi32>, vector<16xi1> -> vector<16xi32>
      %reduce_max3A_1455 = arith.xori %reduce_max3A_1454, %reduce_max3A_1452 : vector<16xi32>
      %reduce_max3A_1456 = vector.extract %reduce_max3A_1455[15] : i32 from vector<16xi32>
      %mul3A_1457 = arith.constant 56 : i32
      %mul3A_1458 = arith.muli %sub3A_1419, %mul3A_1457 : i32
      %dma_wait3A_1459 = arith.constant 0 : i32
      %dma_wait3A_1460 = arith.constant 0 : i32
      %dma_wait3A_1461 = arith.constant 0 : i32
      %dma_wait3A_1462 = arith.constant 0 : i32
      %dma_wait3A_1463 = tpu.memref_slice %arg3[%dma_wait3A_1459, %dma_wait3A_1460, %dma_wait3A_1461, %dma_wait3A_1462] : memref<8x96x224x224xf32, #tpu.memory_space<hbm>> -> memref<1x1x56x224xf32, #tpu.memory_space<hbm>>
      %dma_wait3A_1464 = arith.constant 0 : i32
      %dma_wait3A_1465 = arith.constant 0 : i32
      %dma_wait3A_1466 = arith.constant 0 : i32
      %dma_wait3A_1467 = arith.constant 0 : i32
      %dma_wait3A_1468 = tpu.memref_slice %arg3[%dma_wait3A_1464, %dma_wait3A_1465, %dma_wait3A_1466, %dma_wait3A_1467] : memref<8x96x224x224xf32, #tpu.memory_space<hbm>> -> memref<1x1x56x224xf32, #tpu.memory_space<hbm>>
      tpu.wait_dma2 semaphore(%arg18 : memref<!tpu.dma_semaphore, #tpu.memory_space<semaphore_mem>>) src(%dma_wait3A_1468 : memref<1x1x56x224xf32, #tpu.memory_space<hbm>>) dst(%arg10 : memref<1x1x56x224xf32, #tpu.memory_space<vmem>>)
      %dma_start3A_1469 = arith.constant 0 : i32
      %dma_start3A_1470 = tpu.memref_slice %arg4[%select_n3A_1443, %sub3A_1446, %mul3A_1458, %dma_start3A_1469] : memref<8x96x224x224xf32, #tpu.memory_space<hbm>> -> memref<1x1x56x224xf32, #tpu.memory_space<hbm>>
      %dma_start3A_1471 = arith.constant 0 : i32
      %dma_start3A_1472 = tpu.memref_slice %arg4[%select_n3A_1443, %sub3A_1446, %mul3A_1458, %dma_start3A_1471] : memref<8x96x224x224xf32, #tpu.memory_space<hbm>> -> memref<1x1x56x224xf32, #tpu.memory_space<hbm>>
      tpu.enqueue_dma source(%arg10 : memref<1x1x56x224xf32, #tpu.memory_space<vmem>>) target(%dma_start3A_1472 : memref<1x1x56x224xf32, #tpu.memory_space<hbm>>) target_semaphore(%arg26 : memref<!tpu.dma_semaphore, #tpu.memory_space<semaphore_mem>>)
      %mul3A_1473 = arith.constant 8 : i32
      %mul3A_1474 = arith.muli %scan3A_215, %mul3A_1473 : i32
      %add3A_1475 = arith.constant 4 : i32
      %add3A_1476 = arith.addi %mul3A_1474, %add3A_1475 : i32
      %jit3A_1477 = arith.constant 4 : i32
      %div3A_1478 = arith.divsi %add3A_1476, %jit3A_1477 : i32
      %sign3A_1479 = arith.constant 0 : i32
      %sign3A_1480 = arith.cmpi sgt, %add3A_1476, %sign3A_1479 : i32
      %sign3A_1481 = arith.extui %sign3A_1480 : i1 to i32
      %sign3A_1482 = arith.constant 0 : i32
      %sign3A_1483 = arith.cmpi slt, %add3A_1476, %sign3A_1482 : i32
      %sign3A_1484 = arith.extui %sign3A_1483 : i1 to i32
      %sign3A_1485 = arith.subi %sign3A_1481, %sign3A_1484 : i32
      %sign3A_1486 = arith.constant 0 : i32
      %sign3A_1487 = arith.cmpi sgt, %jit3A_1477, %sign3A_1486 : i32
      %sign3A_1488 = arith.extui %sign3A_1487 : i1 to i32
      %sign3A_1489 = arith.constant 0 : i32
      %sign3A_1490 = arith.cmpi slt, %jit3A_1477, %sign3A_1489 : i32
      %sign3A_1491 = arith.extui %sign3A_1490 : i1 to i32
      %sign3A_1492 = arith.subi %sign3A_1488, %sign3A_1491 : i32
      %ne3A_1493 = arith.cmpi ne, %sign3A_1485, %sign3A_1492 : i32
      %rem3A_1494 = arith.remsi %add3A_1476, %jit3A_1477 : i32
      %ne3A_1495 = arith.constant 0 : i32
      %ne3A_1496 = arith.cmpi ne, %rem3A_1494, %ne3A_1495 : i32
      %and3A_1497 = arith.andi %ne3A_1493, %ne3A_1496 : i1
      %sub3A_1498 = arith.constant 1 : i32
      %sub3A_1499 = arith.subi %div3A_1478, %sub3A_1498 : i32
      %select_n3A_1500 = arith.select %and3A_1497, %sub3A_1499, %div3A_1478 : i32
      %add3A_1501 = arith.addi %mul3A_130, %select_n3A_1500 : i32
      %jit3A_1502 = arith.constant 4 : i32
      %div3A_1503 = arith.divsi %add3A_1476, %jit3A_1502 : i32
      %sign3A_1504 = arith.constant 0 : i32
      %sign3A_1505 = arith.cmpi sgt, %add3A_1476, %sign3A_1504 : i32
      %sign3A_1506 = arith.extui %sign3A_1505 : i1 to i32
      %sign3A_1507 = arith.constant 0 : i32
      %sign3A_1508 = arith.cmpi slt, %add3A_1476, %sign3A_1507 : i32
      %sign3A_1509 = arith.extui %sign3A_1508 : i1 to i32
      %sign3A_1510 = arith.subi %sign3A_1506, %sign3A_1509 : i32
      %sign3A_1511 = arith.constant 0 : i32
      %sign3A_1512 = arith.cmpi sgt, %jit3A_1502, %sign3A_1511 : i32
      %sign3A_1513 = arith.extui %sign3A_1512 : i1 to i32
      %sign3A_1514 = arith.constant 0 : i32
      %sign3A_1515 = arith.cmpi slt, %jit3A_1502, %sign3A_1514 : i32
      %sign3A_1516 = arith.extui %sign3A_1515 : i1 to i32
      %sign3A_1517 = arith.subi %sign3A_1513, %sign3A_1516 : i32
      %ne3A_1518 = arith.cmpi ne, %sign3A_1510, %sign3A_1517 : i32
      %rem3A_1519 = arith.remsi %add3A_1476, %jit3A_1502 : i32
      %ne3A_1520 = arith.constant 0 : i32
      %ne3A_1521 = arith.cmpi ne, %rem3A_1519, %ne3A_1520 : i32
      %and3A_1522 = arith.andi %ne3A_1518, %ne3A_1521 : i1
      %sub3A_1523 = arith.constant 1 : i32
      %sub3A_1524 = arith.subi %div3A_1503, %sub3A_1523 : i32
      %select_n3A_1525 = arith.select %and3A_1522, %sub3A_1524, %div3A_1503 : i32
      %mul3A_1526 = arith.constant 4 : i32
      %mul3A_1527 = arith.muli %select_n3A_1525, %mul3A_1526 : i32
      %sub3A_1528 = arith.subi %add3A_1476, %mul3A_1527 : i32
      %jit3A_1529 = arith.constant 96 : i32
      %div3A_1530 = arith.divsi %add3A_1501, %jit3A_1529 : i32
      %sign3A_1531 = arith.constant 0 : i32
      %sign3A_1532 = arith.cmpi sgt, %add3A_1501, %sign3A_1531 : i32
      %sign3A_1533 = arith.extui %sign3A_1532 : i1 to i32
      %sign3A_1534 = arith.constant 0 : i32
      %sign3A_1535 = arith.cmpi slt, %add3A_1501, %sign3A_1534 : i32
      %sign3A_1536 = arith.extui %sign3A_1535 : i1 to i32
      %sign3A_1537 = arith.subi %sign3A_1533, %sign3A_1536 : i32
      %sign3A_1538 = arith.constant 0 : i32
      %sign3A_1539 = arith.cmpi sgt, %jit3A_1529, %sign3A_1538 : i32
      %sign3A_1540 = arith.extui %sign3A_1539 : i1 to i32
      %sign3A_1541 = arith.constant 0 : i32
      %sign3A_1542 = arith.cmpi slt, %jit3A_1529, %sign3A_1541 : i32
      %sign3A_1543 = arith.extui %sign3A_1542 : i1 to i32
      %sign3A_1544 = arith.subi %sign3A_1540, %sign3A_1543 : i32
      %ne3A_1545 = arith.cmpi ne, %sign3A_1537, %sign3A_1544 : i32
      %rem3A_1546 = arith.remsi %add3A_1501, %jit3A_1529 : i32
      %ne3A_1547 = arith.constant 0 : i32
      %ne3A_1548 = arith.cmpi ne, %rem3A_1546, %ne3A_1547 : i32
      %and3A_1549 = arith.andi %ne3A_1545, %ne3A_1548 : i1
      %sub3A_1550 = arith.constant 1 : i32
      %sub3A_1551 = arith.subi %div3A_1530, %sub3A_1550 : i32
      %select_n3A_1552 = arith.select %and3A_1549, %sub3A_1551, %div3A_1530 : i32
      %mul3A_1553 = arith.constant 96 : i32
      %mul3A_1554 = arith.muli %select_n3A_1552, %mul3A_1553 : i32
      %sub3A_1555 = arith.subi %add3A_1501, %mul3A_1554 : i32
      %broadcast_in_dim3A_1556 = vector.broadcast %sub3A_1555 : i32 to vector<16xi32>
      %gather3A_1557 = tpu.vector_load_idx %arg6[%broadcast_in_dim3A_1556] : memref<96xi32, #tpu.memory_space<vmem>>[vector<16xi32>], vector<16xi32>,
      %reduce_max3A_1558 = arith.constant true
      %reduce_max3A_1559 = vector.broadcast %reduce_max3A_1558 : i1 to vector<16xi1>
      %reduce_max3A_1560 = arith.constant -2147483648 : i32
      %reduce_max3A_1561 = vector.broadcast %reduce_max3A_1560 : i32 to vector<16xi32>
      %reduce_max3A_1562 = arith.xori %gather3A_1557, %reduce_max3A_1561 : vector<16xi32>
      %reduce_max3A_1563 = tpu.scan <max>, %reduce_max3A_1562 masked %reduce_max3A_1559 : vector<16xi32>, vector<16xi1> -> vector<16xi32>
      %reduce_max3A_1564 = arith.xori %reduce_max3A_1563, %reduce_max3A_1561 : vector<16xi32>
      %reduce_max3A_1565 = vector.extract %reduce_max3A_1564[15] : i32 from vector<16xi32>
      %mul3A_1566 = arith.constant 56 : i32
      %mul3A_1567 = arith.muli %sub3A_1528, %mul3A_1566 : i32
      %dma_wait3A_1568 = arith.constant 0 : i32
      %dma_wait3A_1569 = arith.constant 0 : i32
      %dma_wait3A_1570 = arith.constant 0 : i32
      %dma_wait3A_1571 = arith.constant 0 : i32
      %dma_wait3A_1572 = tpu.memref_slice %arg3[%dma_wait3A_1568, %dma_wait3A_1569, %dma_wait3A_1570, %dma_wait3A_1571] : memref<8x96x224x224xf32, #tpu.memory_space<hbm>> -> memref<1x1x56x224xf32, #tpu.memory_space<hbm>>
      %dma_wait3A_1573 = arith.constant 0 : i32
      %dma_wait3A_1574 = arith.constant 0 : i32
      %dma_wait3A_1575 = arith.constant 0 : i32
      %dma_wait3A_1576 = arith.constant 0 : i32
      %dma_wait3A_1577 = tpu.memref_slice %arg3[%dma_wait3A_1573, %dma_wait3A_1574, %dma_wait3A_1575, %dma_wait3A_1576] : memref<8x96x224x224xf32, #tpu.memory_space<hbm>> -> memref<1x1x56x224xf32, #tpu.memory_space<hbm>>
      tpu.wait_dma2 semaphore(%arg19 : memref<!tpu.dma_semaphore, #tpu.memory_space<semaphore_mem>>) src(%dma_wait3A_1577 : memref<1x1x56x224xf32, #tpu.memory_space<hbm>>) dst(%arg11 : memref<1x1x56x224xf32, #tpu.memory_space<vmem>>)
      %dma_start3A_1578 = arith.constant 0 : i32
      %dma_start3A_1579 = tpu.memref_slice %arg4[%select_n3A_1552, %sub3A_1555, %mul3A_1567, %dma_start3A_1578] : memref<8x96x224x224xf32, #tpu.memory_space<hbm>> -> memref<1x1x56x224xf32, #tpu.memory_space<hbm>>
      %dma_start3A_1580 = arith.constant 0 : i32
      %dma_start3A_1581 = tpu.memref_slice %arg4[%select_n3A_1552, %sub3A_1555, %mul3A_1567, %dma_start3A_1580] : memref<8x96x224x224xf32, #tpu.memory_space<hbm>> -> memref<1x1x56x224xf32, #tpu.memory_space<hbm>>
      tpu.enqueue_dma source(%arg11 : memref<1x1x56x224xf32, #tpu.memory_space<vmem>>) target(%dma_start3A_1581 : memref<1x1x56x224xf32, #tpu.memory_space<hbm>>) target_semaphore(%arg27 : memref<!tpu.dma_semaphore, #tpu.memory_space<semaphore_mem>>)
      %mul3A_1582 = arith.constant 8 : i32
      %mul3A_1583 = arith.muli %scan3A_215, %mul3A_1582 : i32
      %add3A_1584 = arith.constant 5 : i32
      %add3A_1585 = arith.addi %mul3A_1583, %add3A_1584 : i32
      %jit3A_1586 = arith.constant 4 : i32
      %div3A_1587 = arith.divsi %add3A_1585, %jit3A_1586 : i32
      %sign3A_1588 = arith.constant 0 : i32
      %sign3A_1589 = arith.cmpi sgt, %add3A_1585, %sign3A_1588 : i32
      %sign3A_1590 = arith.extui %sign3A_1589 : i1 to i32
      %sign3A_1591 = arith.constant 0 : i32
      %sign3A_1592 = arith.cmpi slt, %add3A_1585, %sign3A_1591 : i32
      %sign3A_1593 = arith.extui %sign3A_1592 : i1 to i32
      %sign3A_1594 = arith.subi %sign3A_1590, %sign3A_1593 : i32
      %sign3A_1595 = arith.constant 0 : i32
      %sign3A_1596 = arith.cmpi sgt, %jit3A_1586, %sign3A_1595 : i32
      %sign3A_1597 = arith.extui %sign3A_1596 : i1 to i32
      %sign3A_1598 = arith.constant 0 : i32
      %sign3A_1599 = arith.cmpi slt, %jit3A_1586, %sign3A_1598 : i32
      %sign3A_1600 = arith.extui %sign3A_1599 : i1 to i32
      %sign3A_1601 = arith.subi %sign3A_1597, %sign3A_1600 : i32
      %ne3A_1602 = arith.cmpi ne, %sign3A_1594, %sign3A_1601 : i32
      %rem3A_1603 = arith.remsi %add3A_1585, %jit3A_1586 : i32
      %ne3A_1604 = arith.constant 0 : i32
      %ne3A_1605 = arith.cmpi ne, %rem3A_1603, %ne3A_1604 : i32
      %and3A_1606 = arith.andi %ne3A_1602, %ne3A_1605 : i1
      %sub3A_1607 = arith.constant 1 : i32
      %sub3A_1608 = arith.subi %div3A_1587, %sub3A_1607 : i32
      %select_n3A_1609 = arith.select %and3A_1606, %sub3A_1608, %div3A_1587 : i32
      %add3A_1610 = arith.addi %mul3A_130, %select_n3A_1609 : i32
      %jit3A_1611 = arith.constant 4 : i32
      %div3A_1612 = arith.divsi %add3A_1585, %jit3A_1611 : i32
      %sign3A_1613 = arith.constant 0 : i32
      %sign3A_1614 = arith.cmpi sgt, %add3A_1585, %sign3A_1613 : i32
      %sign3A_1615 = arith.extui %sign3A_1614 : i1 to i32
      %sign3A_1616 = arith.constant 0 : i32
      %sign3A_1617 = arith.cmpi slt, %add3A_1585, %sign3A_1616 : i32
      %sign3A_1618 = arith.extui %sign3A_1617 : i1 to i32
      %sign3A_1619 = arith.subi %sign3A_1615, %sign3A_1618 : i32
      %sign3A_1620 = arith.constant 0 : i32
      %sign3A_1621 = arith.cmpi sgt, %jit3A_1611, %sign3A_1620 : i32
      %sign3A_1622 = arith.extui %sign3A_1621 : i1 to i32
      %sign3A_1623 = arith.constant 0 : i32
      %sign3A_1624 = arith.cmpi slt, %jit3A_1611, %sign3A_1623 : i32
      %sign3A_1625 = arith.extui %sign3A_1624 : i1 to i32
      %sign3A_1626 = arith.subi %sign3A_1622, %sign3A_1625 : i32
      %ne3A_1627 = arith.cmpi ne, %sign3A_1619, %sign3A_1626 : i32
      %rem3A_1628 = arith.remsi %add3A_1585, %jit3A_1611 : i32
      %ne3A_1629 = arith.constant 0 : i32
      %ne3A_1630 = arith.cmpi ne, %rem3A_1628, %ne3A_1629 : i32
      %and3A_1631 = arith.andi %ne3A_1627, %ne3A_1630 : i1
      %sub3A_1632 = arith.constant 1 : i32
      %sub3A_1633 = arith.subi %div3A_1612, %sub3A_1632 : i32
      %select_n3A_1634 = arith.select %and3A_1631, %sub3A_1633, %div3A_1612 : i32
      %mul3A_1635 = arith.constant 4 : i32
      %mul3A_1636 = arith.muli %select_n3A_1634, %mul3A_1635 : i32
      %sub3A_1637 = arith.subi %add3A_1585, %mul3A_1636 : i32
      %jit3A_1638 = arith.constant 96 : i32
      %div3A_1639 = arith.divsi %add3A_1610, %jit3A_1638 : i32
      %sign3A_1640 = arith.constant 0 : i32
      %sign3A_1641 = arith.cmpi sgt, %add3A_1610, %sign3A_1640 : i32
      %sign3A_1642 = arith.extui %sign3A_1641 : i1 to i32
      %sign3A_1643 = arith.constant 0 : i32
      %sign3A_1644 = arith.cmpi slt, %add3A_1610, %sign3A_1643 : i32
      %sign3A_1645 = arith.extui %sign3A_1644 : i1 to i32
      %sign3A_1646 = arith.subi %sign3A_1642, %sign3A_1645 : i32
      %sign3A_1647 = arith.constant 0 : i32
      %sign3A_1648 = arith.cmpi sgt, %jit3A_1638, %sign3A_1647 : i32
      %sign3A_1649 = arith.extui %sign3A_1648 : i1 to i32
      %sign3A_1650 = arith.constant 0 : i32
      %sign3A_1651 = arith.cmpi slt, %jit3A_1638, %sign3A_1650 : i32
      %sign3A_1652 = arith.extui %sign3A_1651 : i1 to i32
      %sign3A_1653 = arith.subi %sign3A_1649, %sign3A_1652 : i32
      %ne3A_1654 = arith.cmpi ne, %sign3A_1646, %sign3A_1653 : i32
      %rem3A_1655 = arith.remsi %add3A_1610, %jit3A_1638 : i32
      %ne3A_1656 = arith.constant 0 : i32
      %ne3A_1657 = arith.cmpi ne, %rem3A_1655, %ne3A_1656 : i32
      %and3A_1658 = arith.andi %ne3A_1654, %ne3A_1657 : i1
      %sub3A_1659 = arith.constant 1 : i32
      %sub3A_1660 = arith.subi %div3A_1639, %sub3A_1659 : i32
      %select_n3A_1661 = arith.select %and3A_1658, %sub3A_1660, %div3A_1639 : i32
      %mul3A_1662 = arith.constant 96 : i32
      %mul3A_1663 = arith.muli %select_n3A_1661, %mul3A_1662 : i32
      %sub3A_1664 = arith.subi %add3A_1610, %mul3A_1663 : i32
      %broadcast_in_dim3A_1665 = vector.broadcast %sub3A_1664 : i32 to vector<16xi32>
      %gather3A_1666 = tpu.vector_load_idx %arg6[%broadcast_in_dim3A_1665] : memref<96xi32, #tpu.memory_space<vmem>>[vector<16xi32>], vector<16xi32>,
      %reduce_max3A_1667 = arith.constant true
      %reduce_max3A_1668 = vector.broadcast %reduce_max3A_1667 : i1 to vector<16xi1>
      %reduce_max3A_1669 = arith.constant -2147483648 : i32
      %reduce_max3A_1670 = vector.broadcast %reduce_max3A_1669 : i32 to vector<16xi32>
      %reduce_max3A_1671 = arith.xori %gather3A_1666, %reduce_max3A_1670 : vector<16xi32>
      %reduce_max3A_1672 = tpu.scan <max>, %reduce_max3A_1671 masked %reduce_max3A_1668 : vector<16xi32>, vector<16xi1> -> vector<16xi32>
      %reduce_max3A_1673 = arith.xori %reduce_max3A_1672, %reduce_max3A_1670 : vector<16xi32>
      %reduce_max3A_1674 = vector.extract %reduce_max3A_1673[15] : i32 from vector<16xi32>
      %mul3A_1675 = arith.constant 56 : i32
      %mul3A_1676 = arith.muli %sub3A_1637, %mul3A_1675 : i32
      %dma_wait3A_1677 = arith.constant 0 : i32
      %dma_wait3A_1678 = arith.constant 0 : i32
      %dma_wait3A_1679 = arith.constant 0 : i32
      %dma_wait3A_1680 = arith.constant 0 : i32
      %dma_wait3A_1681 = tpu.memref_slice %arg3[%dma_wait3A_1677, %dma_wait3A_1678, %dma_wait3A_1679, %dma_wait3A_1680] : memref<8x96x224x224xf32, #tpu.memory_space<hbm>> -> memref<1x1x56x224xf32, #tpu.memory_space<hbm>>
      %dma_wait3A_1682 = arith.constant 0 : i32
      %dma_wait3A_1683 = arith.constant 0 : i32
      %dma_wait3A_1684 = arith.constant 0 : i32
      %dma_wait3A_1685 = arith.constant 0 : i32
      %dma_wait3A_1686 = tpu.memref_slice %arg3[%dma_wait3A_1682, %dma_wait3A_1683, %dma_wait3A_1684, %dma_wait3A_1685] : memref<8x96x224x224xf32, #tpu.memory_space<hbm>> -> memref<1x1x56x224xf32, #tpu.memory_space<hbm>>
      tpu.wait_dma2 semaphore(%arg20 : memref<!tpu.dma_semaphore, #tpu.memory_space<semaphore_mem>>) src(%dma_wait3A_1686 : memref<1x1x56x224xf32, #tpu.memory_space<hbm>>) dst(%arg12 : memref<1x1x56x224xf32, #tpu.memory_space<vmem>>)
      %dma_start3A_1687 = arith.constant 0 : i32
      %dma_start3A_1688 = tpu.memref_slice %arg4[%select_n3A_1661, %sub3A_1664, %mul3A_1676, %dma_start3A_1687] : memref<8x96x224x224xf32, #tpu.memory_space<hbm>> -> memref<1x1x56x224xf32, #tpu.memory_space<hbm>>
      %dma_start3A_1689 = arith.constant 0 : i32
      %dma_start3A_1690 = tpu.memref_slice %arg4[%select_n3A_1661, %sub3A_1664, %mul3A_1676, %dma_start3A_1689] : memref<8x96x224x224xf32, #tpu.memory_space<hbm>> -> memref<1x1x56x224xf32, #tpu.memory_space<hbm>>
      tpu.enqueue_dma source(%arg12 : memref<1x1x56x224xf32, #tpu.memory_space<vmem>>) target(%dma_start3A_1690 : memref<1x1x56x224xf32, #tpu.memory_space<hbm>>) target_semaphore(%arg28 : memref<!tpu.dma_semaphore, #tpu.memory_space<semaphore_mem>>)
      %mul3A_1691 = arith.constant 8 : i32
      %mul3A_1692 = arith.muli %scan3A_215, %mul3A_1691 : i32
      %add3A_1693 = arith.constant 6 : i32
      %add3A_1694 = arith.addi %mul3A_1692, %add3A_1693 : i32
      %jit3A_1695 = arith.constant 4 : i32
      %div3A_1696 = arith.divsi %add3A_1694, %jit3A_1695 : i32
      %sign3A_1697 = arith.constant 0 : i32
      %sign3A_1698 = arith.cmpi sgt, %add3A_1694, %sign3A_1697 : i32
      %sign3A_1699 = arith.extui %sign3A_1698 : i1 to i32
      %sign3A_1700 = arith.constant 0 : i32
      %sign3A_1701 = arith.cmpi slt, %add3A_1694, %sign3A_1700 : i32
      %sign3A_1702 = arith.extui %sign3A_1701 : i1 to i32
      %sign3A_1703 = arith.subi %sign3A_1699, %sign3A_1702 : i32
      %sign3A_1704 = arith.constant 0 : i32
      %sign3A_1705 = arith.cmpi sgt, %jit3A_1695, %sign3A_1704 : i32
      %sign3A_1706 = arith.extui %sign3A_1705 : i1 to i32
      %sign3A_1707 = arith.constant 0 : i32
      %sign3A_1708 = arith.cmpi slt, %jit3A_1695, %sign3A_1707 : i32
      %sign3A_1709 = arith.extui %sign3A_1708 : i1 to i32
      %sign3A_1710 = arith.subi %sign3A_1706, %sign3A_1709 : i32
      %ne3A_1711 = arith.cmpi ne, %sign3A_1703, %sign3A_1710 : i32
      %rem3A_1712 = arith.remsi %add3A_1694, %jit3A_1695 : i32
      %ne3A_1713 = arith.constant 0 : i32
      %ne3A_1714 = arith.cmpi ne, %rem3A_1712, %ne3A_1713 : i32
      %and3A_1715 = arith.andi %ne3A_1711, %ne3A_1714 : i1
      %sub3A_1716 = arith.constant 1 : i32
      %sub3A_1717 = arith.subi %div3A_1696, %sub3A_1716 : i32
      %select_n3A_1718 = arith.select %and3A_1715, %sub3A_1717, %div3A_1696 : i32
      %add3A_1719 = arith.addi %mul3A_130, %select_n3A_1718 : i32
      %jit3A_1720 = arith.constant 4 : i32
      %div3A_1721 = arith.divsi %add3A_1694, %jit3A_1720 : i32
      %sign3A_1722 = arith.constant 0 : i32
      %sign3A_1723 = arith.cmpi sgt, %add3A_1694, %sign3A_1722 : i32
      %sign3A_1724 = arith.extui %sign3A_1723 : i1 to i32
      %sign3A_1725 = arith.constant 0 : i32
      %sign3A_1726 = arith.cmpi slt, %add3A_1694, %sign3A_1725 : i32
      %sign3A_1727 = arith.extui %sign3A_1726 : i1 to i32
      %sign3A_1728 = arith.subi %sign3A_1724, %sign3A_1727 : i32
      %sign3A_1729 = arith.constant 0 : i32
      %sign3A_1730 = arith.cmpi sgt, %jit3A_1720, %sign3A_1729 : i32
      %sign3A_1731 = arith.extui %sign3A_1730 : i1 to i32
      %sign3A_1732 = arith.constant 0 : i32
      %sign3A_1733 = arith.cmpi slt, %jit3A_1720, %sign3A_1732 : i32
      %sign3A_1734 = arith.extui %sign3A_1733 : i1 to i32
      %sign3A_1735 = arith.subi %sign3A_1731, %sign3A_1734 : i32
      %ne3A_1736 = arith.cmpi ne, %sign3A_1728, %sign3A_1735 : i32
      %rem3A_1737 = arith.remsi %add3A_1694, %jit3A_1720 : i32
      %ne3A_1738 = arith.constant 0 : i32
      %ne3A_1739 = arith.cmpi ne, %rem3A_1737, %ne3A_1738 : i32
      %and3A_1740 = arith.andi %ne3A_1736, %ne3A_1739 : i1
      %sub3A_1741 = arith.constant 1 : i32
      %sub3A_1742 = arith.subi %div3A_1721, %sub3A_1741 : i32
      %select_n3A_1743 = arith.select %and3A_1740, %sub3A_1742, %div3A_1721 : i32
      %mul3A_1744 = arith.constant 4 : i32
      %mul3A_1745 = arith.muli %select_n3A_1743, %mul3A_1744 : i32
      %sub3A_1746 = arith.subi %add3A_1694, %mul3A_1745 : i32
      %jit3A_1747 = arith.constant 96 : i32
      %div3A_1748 = arith.divsi %add3A_1719, %jit3A_1747 : i32
      %sign3A_1749 = arith.constant 0 : i32
      %sign3A_1750 = arith.cmpi sgt, %add3A_1719, %sign3A_1749 : i32
      %sign3A_1751 = arith.extui %sign3A_1750 : i1 to i32
      %sign3A_1752 = arith.constant 0 : i32
      %sign3A_1753 = arith.cmpi slt, %add3A_1719, %sign3A_1752 : i32
      %sign3A_1754 = arith.extui %sign3A_1753 : i1 to i32
      %sign3A_1755 = arith.subi %sign3A_1751, %sign3A_1754 : i32
      %sign3A_1756 = arith.constant 0 : i32
      %sign3A_1757 = arith.cmpi sgt, %jit3A_1747, %sign3A_1756 : i32
      %sign3A_1758 = arith.extui %sign3A_1757 : i1 to i32
      %sign3A_1759 = arith.constant 0 : i32
      %sign3A_1760 = arith.cmpi slt, %jit3A_1747, %sign3A_1759 : i32
      %sign3A_1761 = arith.extui %sign3A_1760 : i1 to i32
      %sign3A_1762 = arith.subi %sign3A_1758, %sign3A_1761 : i32
      %ne3A_1763 = arith.cmpi ne, %sign3A_1755, %sign3A_1762 : i32
      %rem3A_1764 = arith.remsi %add3A_1719, %jit3A_1747 : i32
      %ne3A_1765 = arith.constant 0 : i32
      %ne3A_1766 = arith.cmpi ne, %rem3A_1764, %ne3A_1765 : i32
      %and3A_1767 = arith.andi %ne3A_1763, %ne3A_1766 : i1
      %sub3A_1768 = arith.constant 1 : i32
      %sub3A_1769 = arith.subi %div3A_1748, %sub3A_1768 : i32
      %select_n3A_1770 = arith.select %and3A_1767, %sub3A_1769, %div3A_1748 : i32
      %mul3A_1771 = arith.constant 96 : i32
      %mul3A_1772 = arith.muli %select_n3A_1770, %mul3A_1771 : i32
      %sub3A_1773 = arith.subi %add3A_1719, %mul3A_1772 : i32
      %broadcast_in_dim3A_1774 = vector.broadcast %sub3A_1773 : i32 to vector<16xi32>
      %gather3A_1775 = tpu.vector_load_idx %arg6[%broadcast_in_dim3A_1774] : memref<96xi32, #tpu.memory_space<vmem>>[vector<16xi32>], vector<16xi32>,
      %reduce_max3A_1776 = arith.constant true
      %reduce_max3A_1777 = vector.broadcast %reduce_max3A_1776 : i1 to vector<16xi1>
      %reduce_max3A_1778 = arith.constant -2147483648 : i32
      %reduce_max3A_1779 = vector.broadcast %reduce_max3A_1778 : i32 to vector<16xi32>
      %reduce_max3A_1780 = arith.xori %gather3A_1775, %reduce_max3A_1779 : vector<16xi32>
      %reduce_max3A_1781 = tpu.scan <max>, %reduce_max3A_1780 masked %reduce_max3A_1777 : vector<16xi32>, vector<16xi1> -> vector<16xi32>
      %reduce_max3A_1782 = arith.xori %reduce_max3A_1781, %reduce_max3A_1779 : vector<16xi32>
      %reduce_max3A_1783 = vector.extract %reduce_max3A_1782[15] : i32 from vector<16xi32>
      %mul3A_1784 = arith.constant 56 : i32
      %mul3A_1785 = arith.muli %sub3A_1746, %mul3A_1784 : i32
      %dma_wait3A_1786 = arith.constant 0 : i32
      %dma_wait3A_1787 = arith.constant 0 : i32
      %dma_wait3A_1788 = arith.constant 0 : i32
      %dma_wait3A_1789 = arith.constant 0 : i32
      %dma_wait3A_1790 = tpu.memref_slice %arg3[%dma_wait3A_1786, %dma_wait3A_1787, %dma_wait3A_1788, %dma_wait3A_1789] : memref<8x96x224x224xf32, #tpu.memory_space<hbm>> -> memref<1x1x56x224xf32, #tpu.memory_space<hbm>>
      %dma_wait3A_1791 = arith.constant 0 : i32
      %dma_wait3A_1792 = arith.constant 0 : i32
      %dma_wait3A_1793 = arith.constant 0 : i32
      %dma_wait3A_1794 = arith.constant 0 : i32
      %dma_wait3A_1795 = tpu.memref_slice %arg3[%dma_wait3A_1791, %dma_wait3A_1792, %dma_wait3A_1793, %dma_wait3A_1794] : memref<8x96x224x224xf32, #tpu.memory_space<hbm>> -> memref<1x1x56x224xf32, #tpu.memory_space<hbm>>
      tpu.wait_dma2 semaphore(%arg21 : memref<!tpu.dma_semaphore, #tpu.memory_space<semaphore_mem>>) src(%dma_wait3A_1795 : memref<1x1x56x224xf32, #tpu.memory_space<hbm>>) dst(%arg13 : memref<1x1x56x224xf32, #tpu.memory_space<vmem>>)
      %dma_start3A_1796 = arith.constant 0 : i32
      %dma_start3A_1797 = tpu.memref_slice %arg4[%select_n3A_1770, %sub3A_1773, %mul3A_1785, %dma_start3A_1796] : memref<8x96x224x224xf32, #tpu.memory_space<hbm>> -> memref<1x1x56x224xf32, #tpu.memory_space<hbm>>
      %dma_start3A_1798 = arith.constant 0 : i32
      %dma_start3A_1799 = tpu.memref_slice %arg4[%select_n3A_1770, %sub3A_1773, %mul3A_1785, %dma_start3A_1798] : memref<8x96x224x224xf32, #tpu.memory_space<hbm>> -> memref<1x1x56x224xf32, #tpu.memory_space<hbm>>
      tpu.enqueue_dma source(%arg13 : memref<1x1x56x224xf32, #tpu.memory_space<vmem>>) target(%dma_start3A_1799 : memref<1x1x56x224xf32, #tpu.memory_space<hbm>>) target_semaphore(%arg29 : memref<!tpu.dma_semaphore, #tpu.memory_space<semaphore_mem>>)
      %mul3A_1800 = arith.constant 8 : i32
      %mul3A_1801 = arith.muli %scan3A_215, %mul3A_1800 : i32
      %add3A_1802 = arith.constant 7 : i32
      %add3A_1803 = arith.addi %mul3A_1801, %add3A_1802 : i32
      %jit3A_1804 = arith.constant 4 : i32
      %div3A_1805 = arith.divsi %add3A_1803, %jit3A_1804 : i32
      %sign3A_1806 = arith.constant 0 : i32
      %sign3A_1807 = arith.cmpi sgt, %add3A_1803, %sign3A_1806 : i32
      %sign3A_1808 = arith.extui %sign3A_1807 : i1 to i32
      %sign3A_1809 = arith.constant 0 : i32
      %sign3A_1810 = arith.cmpi slt, %add3A_1803, %sign3A_1809 : i32
      %sign3A_1811 = arith.extui %sign3A_1810 : i1 to i32
      %sign3A_1812 = arith.subi %sign3A_1808, %sign3A_1811 : i32
      %sign3A_1813 = arith.constant 0 : i32
      %sign3A_1814 = arith.cmpi sgt, %jit3A_1804, %sign3A_1813 : i32
      %sign3A_1815 = arith.extui %sign3A_1814 : i1 to i32
      %sign3A_1816 = arith.constant 0 : i32
      %sign3A_1817 = arith.cmpi slt, %jit3A_1804, %sign3A_1816 : i32
      %sign3A_1818 = arith.extui %sign3A_1817 : i1 to i32
      %sign3A_1819 = arith.subi %sign3A_1815, %sign3A_1818 : i32
      %ne3A_1820 = arith.cmpi ne, %sign3A_1812, %sign3A_1819 : i32
      %rem3A_1821 = arith.remsi %add3A_1803, %jit3A_1804 : i32
      %ne3A_1822 = arith.constant 0 : i32
      %ne3A_1823 = arith.cmpi ne, %rem3A_1821, %ne3A_1822 : i32
      %and3A_1824 = arith.andi %ne3A_1820, %ne3A_1823 : i1
      %sub3A_1825 = arith.constant 1 : i32
      %sub3A_1826 = arith.subi %div3A_1805, %sub3A_1825 : i32
      %select_n3A_1827 = arith.select %and3A_1824, %sub3A_1826, %div3A_1805 : i32
      %add3A_1828 = arith.addi %mul3A_130, %select_n3A_1827 : i32
      %jit3A_1829 = arith.constant 4 : i32
      %div3A_1830 = arith.divsi %add3A_1803, %jit3A_1829 : i32
      %sign3A_1831 = arith.constant 0 : i32
      %sign3A_1832 = arith.cmpi sgt, %add3A_1803, %sign3A_1831 : i32
      %sign3A_1833 = arith.extui %sign3A_1832 : i1 to i32
      %sign3A_1834 = arith.constant 0 : i32
      %sign3A_1835 = arith.cmpi slt, %add3A_1803, %sign3A_1834 : i32
      %sign3A_1836 = arith.extui %sign3A_1835 : i1 to i32
      %sign3A_1837 = arith.subi %sign3A_1833, %sign3A_1836 : i32
      %sign3A_1838 = arith.constant 0 : i32
      %sign3A_1839 = arith.cmpi sgt, %jit3A_1829, %sign3A_1838 : i32
      %sign3A_1840 = arith.extui %sign3A_1839 : i1 to i32
      %sign3A_1841 = arith.constant 0 : i32
      %sign3A_1842 = arith.cmpi slt, %jit3A_1829, %sign3A_1841 : i32
      %sign3A_1843 = arith.extui %sign3A_1842 : i1 to i32
      %sign3A_1844 = arith.subi %sign3A_1840, %sign3A_1843 : i32
      %ne3A_1845 = arith.cmpi ne, %sign3A_1837, %sign3A_1844 : i32
      %rem3A_1846 = arith.remsi %add3A_1803, %jit3A_1829 : i32
      %ne3A_1847 = arith.constant 0 : i32
      %ne3A_1848 = arith.cmpi ne, %rem3A_1846, %ne3A_1847 : i32
      %and3A_1849 = arith.andi %ne3A_1845, %ne3A_1848 : i1
      %sub3A_1850 = arith.constant 1 : i32
      %sub3A_1851 = arith.subi %div3A_1830, %sub3A_1850 : i32
      %select_n3A_1852 = arith.select %and3A_1849, %sub3A_1851, %div3A_1830 : i32
      %mul3A_1853 = arith.constant 4 : i32
      %mul3A_1854 = arith.muli %select_n3A_1852, %mul3A_1853 : i32
      %sub3A_1855 = arith.subi %add3A_1803, %mul3A_1854 : i32
      %jit3A_1856 = arith.constant 96 : i32
      %div3A_1857 = arith.divsi %add3A_1828, %jit3A_1856 : i32
      %sign3A_1858 = arith.constant 0 : i32
      %sign3A_1859 = arith.cmpi sgt, %add3A_1828, %sign3A_1858 : i32
      %sign3A_1860 = arith.extui %sign3A_1859 : i1 to i32
      %sign3A_1861 = arith.constant 0 : i32
      %sign3A_1862 = arith.cmpi slt, %add3A_1828, %sign3A_1861 : i32
      %sign3A_1863 = arith.extui %sign3A_1862 : i1 to i32
      %sign3A_1864 = arith.subi %sign3A_1860, %sign3A_1863 : i32
      %sign3A_1865 = arith.constant 0 : i32
      %sign3A_1866 = arith.cmpi sgt, %jit3A_1856, %sign3A_1865 : i32
      %sign3A_1867 = arith.extui %sign3A_1866 : i1 to i32
      %sign3A_1868 = arith.constant 0 : i32
      %sign3A_1869 = arith.cmpi slt, %jit3A_1856, %sign3A_1868 : i32
      %sign3A_1870 = arith.extui %sign3A_1869 : i1 to i32
      %sign3A_1871 = arith.subi %sign3A_1867, %sign3A_1870 : i32
      %ne3A_1872 = arith.cmpi ne, %sign3A_1864, %sign3A_1871 : i32
      %rem3A_1873 = arith.remsi %add3A_1828, %jit3A_1856 : i32
      %ne3A_1874 = arith.constant 0 : i32
      %ne3A_1875 = arith.cmpi ne, %rem3A_1873, %ne3A_1874 : i32
      %and3A_1876 = arith.andi %ne3A_1872, %ne3A_1875 : i1
      %sub3A_1877 = arith.constant 1 : i32
      %sub3A_1878 = arith.subi %div3A_1857, %sub3A_1877 : i32
      %select_n3A_1879 = arith.select %and3A_1876, %sub3A_1878, %div3A_1857 : i32
      %mul3A_1880 = arith.constant 96 : i32
      %mul3A_1881 = arith.muli %select_n3A_1879, %mul3A_1880 : i32
      %sub3A_1882 = arith.subi %add3A_1828, %mul3A_1881 : i32
      %broadcast_in_dim3A_1883 = vector.broadcast %sub3A_1882 : i32 to vector<16xi32>
      %gather3A_1884 = tpu.vector_load_idx %arg6[%broadcast_in_dim3A_1883] : memref<96xi32, #tpu.memory_space<vmem>>[vector<16xi32>], vector<16xi32>,
      %reduce_max3A_1885 = arith.constant true
      %reduce_max3A_1886 = vector.broadcast %reduce_max3A_1885 : i1 to vector<16xi1>
      %reduce_max3A_1887 = arith.constant -2147483648 : i32
      %reduce_max3A_1888 = vector.broadcast %reduce_max3A_1887 : i32 to vector<16xi32>
      %reduce_max3A_1889 = arith.xori %gather3A_1884, %reduce_max3A_1888 : vector<16xi32>
      %reduce_max3A_1890 = tpu.scan <max>, %reduce_max3A_1889 masked %reduce_max3A_1886 : vector<16xi32>, vector<16xi1> -> vector<16xi32>
      %reduce_max3A_1891 = arith.xori %reduce_max3A_1890, %reduce_max3A_1888 : vector<16xi32>
      %reduce_max3A_1892 = vector.extract %reduce_max3A_1891[15] : i32 from vector<16xi32>
      %mul3A_1893 = arith.constant 56 : i32
      %mul3A_1894 = arith.muli %sub3A_1855, %mul3A_1893 : i32
      %dma_wait3A_1895 = arith.constant 0 : i32
      %dma_wait3A_1896 = arith.constant 0 : i32
      %dma_wait3A_1897 = arith.constant 0 : i32
      %dma_wait3A_1898 = arith.constant 0 : i32
      %dma_wait3A_1899 = tpu.memref_slice %arg3[%dma_wait3A_1895, %dma_wait3A_1896, %dma_wait3A_1897, %dma_wait3A_1898] : memref<8x96x224x224xf32, #tpu.memory_space<hbm>> -> memref<1x1x56x224xf32, #tpu.memory_space<hbm>>
      %dma_wait3A_1900 = arith.constant 0 : i32
      %dma_wait3A_1901 = arith.constant 0 : i32
      %dma_wait3A_1902 = arith.constant 0 : i32
      %dma_wait3A_1903 = arith.constant 0 : i32
      %dma_wait3A_1904 = tpu.memref_slice %arg3[%dma_wait3A_1900, %dma_wait3A_1901, %dma_wait3A_1902, %dma_wait3A_1903] : memref<8x96x224x224xf32, #tpu.memory_space<hbm>> -> memref<1x1x56x224xf32, #tpu.memory_space<hbm>>
      tpu.wait_dma2 semaphore(%arg22 : memref<!tpu.dma_semaphore, #tpu.memory_space<semaphore_mem>>) src(%dma_wait3A_1904 : memref<1x1x56x224xf32, #tpu.memory_space<hbm>>) dst(%arg14 : memref<1x1x56x224xf32, #tpu.memory_space<vmem>>)
      %dma_start3A_1905 = arith.constant 0 : i32
      %dma_start3A_1906 = tpu.memref_slice %arg4[%select_n3A_1879, %sub3A_1882, %mul3A_1894, %dma_start3A_1905] : memref<8x96x224x224xf32, #tpu.memory_space<hbm>> -> memref<1x1x56x224xf32, #tpu.memory_space<hbm>>
      %dma_start3A_1907 = arith.constant 0 : i32
      %dma_start3A_1908 = tpu.memref_slice %arg4[%select_n3A_1879, %sub3A_1882, %mul3A_1894, %dma_start3A_1907] : memref<8x96x224x224xf32, #tpu.memory_space<hbm>> -> memref<1x1x56x224xf32, #tpu.memory_space<hbm>>
      tpu.enqueue_dma source(%arg14 : memref<1x1x56x224xf32, #tpu.memory_space<vmem>>) target(%dma_start3A_1908 : memref<1x1x56x224xf32, #tpu.memory_space<hbm>>) target_semaphore(%arg30 : memref<!tpu.dma_semaphore, #tpu.memory_space<semaphore_mem>>)
    }
    %scan3A_135 = arith.constant 12 : i32
    %dma_wait3A = arith.constant 0 : i32
    %dma_wait3A_136 = arith.constant 0 : i32
    %dma_wait3A_137 = arith.constant 0 : i32
    %dma_wait3A_138 = arith.constant 0 : i32
    %dma_wait3A_139 = tpu.memref_slice %arg4[%dma_wait3A, %dma_wait3A_136, %dma_wait3A_137, %dma_wait3A_138] : memref<8x96x224x224xf32, #tpu.memory_space<hbm>> -> memref<1x1x56x224xf32, #tpu.memory_space<hbm>>
    %dma_wait3A_140 = arith.constant 0 : i32
    %dma_wait3A_141 = arith.constant 0 : i32
    %dma_wait3A_142 = arith.constant 0 : i32
    %dma_wait3A_143 = arith.constant 0 : i32
    %dma_wait3A_144 = tpu.memref_slice %arg4[%dma_wait3A_140, %dma_wait3A_141, %dma_wait3A_142, %dma_wait3A_143] : memref<8x96x224x224xf32, #tpu.memory_space<hbm>> -> memref<1x1x56x224xf32, #tpu.memory_space<hbm>>
    tpu.wait_dma2 semaphore(%arg23 : memref<!tpu.dma_semaphore, #tpu.memory_space<semaphore_mem>>) src(%arg7 : memref<1x1x56x224xf32, #tpu.memory_space<vmem>>) dst(%dma_wait3A_144 : memref<1x1x56x224xf32, #tpu.memory_space<hbm>>)
    %dma_wait3A_145 = arith.constant 0 : i32
    %dma_wait3A_146 = arith.constant 0 : i32
    %dma_wait3A_147 = arith.constant 0 : i32
    %dma_wait3A_148 = arith.constant 0 : i32
    %dma_wait3A_149 = tpu.memref_slice %arg4[%dma_wait3A_145, %dma_wait3A_146, %dma_wait3A_147, %dma_wait3A_148] : memref<8x96x224x224xf32, #tpu.memory_space<hbm>> -> memref<1x1x56x224xf32, #tpu.memory_space<hbm>>
    %dma_wait3A_150 = arith.constant 0 : i32
    %dma_wait3A_151 = arith.constant 0 : i32
    %dma_wait3A_152 = arith.constant 0 : i32
    %dma_wait3A_153 = arith.constant 0 : i32
    %dma_wait3A_154 = tpu.memref_slice %arg4[%dma_wait3A_150, %dma_wait3A_151, %dma_wait3A_152, %dma_wait3A_153] : memref<8x96x224x224xf32, #tpu.memory_space<hbm>> -> memref<1x1x56x224xf32, #tpu.memory_space<hbm>>
    tpu.wait_dma2 semaphore(%arg24 : memref<!tpu.dma_semaphore, #tpu.memory_space<semaphore_mem>>) src(%arg8 : memref<1x1x56x224xf32, #tpu.memory_space<vmem>>) dst(%dma_wait3A_154 : memref<1x1x56x224xf32, #tpu.memory_space<hbm>>)
    %dma_wait3A_155 = arith.constant 0 : i32
    %dma_wait3A_156 = arith.constant 0 : i32
    %dma_wait3A_157 = arith.constant 0 : i32
    %dma_wait3A_158 = arith.constant 0 : i32
    %dma_wait3A_159 = tpu.memref_slice %arg4[%dma_wait3A_155, %dma_wait3A_156, %dma_wait3A_157, %dma_wait3A_158] : memref<8x96x224x224xf32, #tpu.memory_space<hbm>> -> memref<1x1x56x224xf32, #tpu.memory_space<hbm>>
    %dma_wait3A_160 = arith.constant 0 : i32
    %dma_wait3A_161 = arith.constant 0 : i32
    %dma_wait3A_162 = arith.constant 0 : i32
    %dma_wait3A_163 = arith.constant 0 : i32
    %dma_wait3A_164 = tpu.memref_slice %arg4[%dma_wait3A_160, %dma_wait3A_161, %dma_wait3A_162, %dma_wait3A_163] : memref<8x96x224x224xf32, #tpu.memory_space<hbm>> -> memref<1x1x56x224xf32, #tpu.memory_space<hbm>>
    tpu.wait_dma2 semaphore(%arg25 : memref<!tpu.dma_semaphore, #tpu.memory_space<semaphore_mem>>) src(%arg9 : memref<1x1x56x224xf32, #tpu.memory_space<vmem>>) dst(%dma_wait3A_164 : memref<1x1x56x224xf32, #tpu.memory_space<hbm>>)
    %dma_wait3A_165 = arith.constant 0 : i32
    %dma_wait3A_166 = arith.constant 0 : i32
    %dma_wait3A_167 = arith.constant 0 : i32
    %dma_wait3A_168 = arith.constant 0 : i32
    %dma_wait3A_169 = tpu.memref_slice %arg4[%dma_wait3A_165, %dma_wait3A_166, %dma_wait3A_167, %dma_wait3A_168] : memref<8x96x224x224xf32, #tpu.memory_space<hbm>> -> memref<1x1x56x224xf32, #tpu.memory_space<hbm>>
    %dma_wait3A_170 = arith.constant 0 : i32
    %dma_wait3A_171 = arith.constant 0 : i32
    %dma_wait3A_172 = arith.constant 0 : i32
    %dma_wait3A_173 = arith.constant 0 : i32
    %dma_wait3A_174 = tpu.memref_slice %arg4[%dma_wait3A_170, %dma_wait3A_171, %dma_wait3A_172, %dma_wait3A_173] : memref<8x96x224x224xf32, #tpu.memory_space<hbm>> -> memref<1x1x56x224xf32, #tpu.memory_space<hbm>>
    tpu.wait_dma2 semaphore(%arg26 : memref<!tpu.dma_semaphore, #tpu.memory_space<semaphore_mem>>) src(%arg10 : memref<1x1x56x224xf32, #tpu.memory_space<vmem>>) dst(%dma_wait3A_174 : memref<1x1x56x224xf32, #tpu.memory_space<hbm>>)
    %dma_wait3A_175 = arith.constant 0 : i32
    %dma_wait3A_176 = arith.constant 0 : i32
    %dma_wait3A_177 = arith.constant 0 : i32
    %dma_wait3A_178 = arith.constant 0 : i32
    %dma_wait3A_179 = tpu.memref_slice %arg4[%dma_wait3A_175, %dma_wait3A_176, %dma_wait3A_177, %dma_wait3A_178] : memref<8x96x224x224xf32, #tpu.memory_space<hbm>> -> memref<1x1x56x224xf32, #tpu.memory_space<hbm>>
    %dma_wait3A_180 = arith.constant 0 : i32
    %dma_wait3A_181 = arith.constant 0 : i32
    %dma_wait3A_182 = arith.constant 0 : i32
    %dma_wait3A_183 = arith.constant 0 : i32
    %dma_wait3A_184 = tpu.memref_slice %arg4[%dma_wait3A_180, %dma_wait3A_181, %dma_wait3A_182, %dma_wait3A_183] : memref<8x96x224x224xf32, #tpu.memory_space<hbm>> -> memref<1x1x56x224xf32, #tpu.memory_space<hbm>>
    tpu.wait_dma2 semaphore(%arg27 : memref<!tpu.dma_semaphore, #tpu.memory_space<semaphore_mem>>) src(%arg11 : memref<1x1x56x224xf32, #tpu.memory_space<vmem>>) dst(%dma_wait3A_184 : memref<1x1x56x224xf32, #tpu.memory_space<hbm>>)
    %dma_wait3A_185 = arith.constant 0 : i32
    %dma_wait3A_186 = arith.constant 0 : i32
    %dma_wait3A_187 = arith.constant 0 : i32
    %dma_wait3A_188 = arith.constant 0 : i32
    %dma_wait3A_189 = tpu.memref_slice %arg4[%dma_wait3A_185, %dma_wait3A_186, %dma_wait3A_187, %dma_wait3A_188] : memref<8x96x224x224xf32, #tpu.memory_space<hbm>> -> memref<1x1x56x224xf32, #tpu.memory_space<hbm>>
    %dma_wait3A_190 = arith.constant 0 : i32
    %dma_wait3A_191 = arith.constant 0 : i32
    %dma_wait3A_192 = arith.constant 0 : i32
    %dma_wait3A_193 = arith.constant 0 : i32
    %dma_wait3A_194 = tpu.memref_slice %arg4[%dma_wait3A_190, %dma_wait3A_191, %dma_wait3A_192, %dma_wait3A_193] : memref<8x96x224x224xf32, #tpu.memory_space<hbm>> -> memref<1x1x56x224xf32, #tpu.memory_space<hbm>>
    tpu.wait_dma2 semaphore(%arg28 : memref<!tpu.dma_semaphore, #tpu.memory_space<semaphore_mem>>) src(%arg12 : memref<1x1x56x224xf32, #tpu.memory_space<vmem>>) dst(%dma_wait3A_194 : memref<1x1x56x224xf32, #tpu.memory_space<hbm>>)
    %dma_wait3A_195 = arith.constant 0 : i32
    %dma_wait3A_196 = arith.constant 0 : i32
    %dma_wait3A_197 = arith.constant 0 : i32
    %dma_wait3A_198 = arith.constant 0 : i32
    %dma_wait3A_199 = tpu.memref_slice %arg4[%dma_wait3A_195, %dma_wait3A_196, %dma_wait3A_197, %dma_wait3A_198] : memref<8x96x224x224xf32, #tpu.memory_space<hbm>> -> memref<1x1x56x224xf32, #tpu.memory_space<hbm>>
    %dma_wait3A_200 = arith.constant 0 : i32
    %dma_wait3A_201 = arith.constant 0 : i32
    %dma_wait3A_202 = arith.constant 0 : i32
    %dma_wait3A_203 = arith.constant 0 : i32
    %dma_wait3A_204 = tpu.memref_slice %arg4[%dma_wait3A_200, %dma_wait3A_201, %dma_wait3A_202, %dma_wait3A_203] : memref<8x96x224x224xf32, #tpu.memory_space<hbm>> -> memref<1x1x56x224xf32, #tpu.memory_space<hbm>>
    tpu.wait_dma2 semaphore(%arg29 : memref<!tpu.dma_semaphore, #tpu.memory_space<semaphore_mem>>) src(%arg13 : memref<1x1x56x224xf32, #tpu.memory_space<vmem>>) dst(%dma_wait3A_204 : memref<1x1x56x224xf32, #tpu.memory_space<hbm>>)
    %dma_wait3A_205 = arith.constant 0 : i32
    %dma_wait3A_206 = arith.constant 0 : i32
    %dma_wait3A_207 = arith.constant 0 : i32
    %dma_wait3A_208 = arith.constant 0 : i32
    %dma_wait3A_209 = tpu.memref_slice %arg4[%dma_wait3A_205, %dma_wait3A_206, %dma_wait3A_207, %dma_wait3A_208] : memref<8x96x224x224xf32, #tpu.memory_space<hbm>> -> memref<1x1x56x224xf32, #tpu.memory_space<hbm>>
    %dma_wait3A_210 = arith.constant 0 : i32
    %dma_wait3A_211 = arith.constant 0 : i32
    %dma_wait3A_212 = arith.constant 0 : i32
    %dma_wait3A_213 = arith.constant 0 : i32
    %dma_wait3A_214 = tpu.memref_slice %arg4[%dma_wait3A_210, %dma_wait3A_211, %dma_wait3A_212, %dma_wait3A_213] : memref<8x96x224x224xf32, #tpu.memory_space<hbm>> -> memref<1x1x56x224xf32, #tpu.memory_space<hbm>>
    tpu.wait_dma2 semaphore(%arg30 : memref<!tpu.dma_semaphore, #tpu.memory_space<semaphore_mem>>) src(%arg14 : memref<1x1x56x224xf32, #tpu.memory_space<vmem>>) dst(%dma_wait3A_214 : memref<1x1x56x224xf32, #tpu.memory_space<hbm>>)
    return
  }
}

</mosaic_0001>

<sc_bundles>
// kernel: kernel.3.cloned.1.call-start
scs
__scs_entry_jumppad:
0x0: {  	(pc) =	sbr.rel $0x88, $3  }
0x1: {  	(tag) =	ssettag $0x0;
	lr =	simm.s32 $0x1  }
0x2: {  	[smem:$0x3F9F] =	sst lr;
	_ =	strace $0xD0000000  }
0x3: {  	_ = 	snop  }
0x4: {  	_ = 	snop  }
0x5: {  	_ = 	snop  }
0x6: {  	_ = 	snop  }
0x7: {  	_ = 	snop  }
__scs_overlays_trampoline_lowered:
0x8: {  	[smem:$0x3FAE] =	sst s0  }
0x9: {  	[smem:$0x3FAF] =	sst s1  }
0xa: {  	[smem:$0x3FB0] =	sst s2  }
0xb: {  	[smem:$0x3FB1] =	sst s3  }
0xc: {  	[smem:$0x3FB2] =	sst s4  }
0xd: {  	[smem:$0x3FB3] =	sst s5  }
0xe: {  	[smem:$0x3FB4] =	sst s6  }
0xf: {  	[smem:$0x3FB5] =	sst s7  }
0x10: {  	[smem:$0x3FB6] =	sst s8  }
0x11: {  	[smem:$0x3FB7] =	sst s9;
	s0 =	simm.s32 @!p0 $0x0  }
0x12: {  	s1 =	sld [smem:$0x3F9D];
	s0 =	simm.s32 @p0 $0x1  }
0x13: {  	[smem:$0x3FB8] =	sst s0;
	s0 =	simm.s32 @!p1 $0x0  }
0x14: {  	s2 =	sld [smem:$0x3F9C];
	s0 =	simm.s32 @p1 $0x1  }
0x15: {  	[smem:$0x3FB9] =	sst s0;
	s0 =	simm.s32 @!p2 $0x0  }
0x16: {  	s3 =	sld [smem:$0x3FDB];
	s0 =	simm.s32 @p2 $0x1  }
0x17: {  	s4 =	simm.s32 $0x1BF5;
	[smem:$0x3FBB] =	sst s0  }
0x18: {  	s0 =	sld [smem:$0x3F9E];
	_ =	swait.ge [sflag:s4], $0x0  }
0x19: {  	s7 =	sld [smem:$0x3F9F]  }
0x1a: {  	s8 =	sadd.s32 $0xFFFFE003, lr  }
0x1b: {  	s9 =	sadd.s32 $0xFFFFFEF7, lr;
	s5 =	simm.s32 $0xFFFFFFFF;
	p2 =	slt.u32 s8, $0xFFFFF086  }
0x1c: {  	p1 =	slt.u32 s9, $0xF7A;
	s5 =	simm.s32 @!p2 $0x0  }
0x1d: {  	s5 =	simm.s32 @p1 $0x1;
	p0 =	seq.s32 s7, s2  }
0x1e: {  	s7 =	smul.u32 @!p0 $0xF7A, s2;
	p2 =	seq.s32 @!p0 s5, $0x0  }
0x1f: {  	s9 =	smul.u32 $0xF7A, s1;
	s8 =	simm.s32 @!p0 $0x1BF5;
	p2 =	por !p2, p0  }
0x20: {  	[sflag:s8] =	ssyncset.s32 @!p0 $0xFFFFF086;
	s6 =	sadd.s32 @!p0 s3, s7;
	s7 =	simm.s32 @!p0 $0x108  }
0x21: {  	s3 =	sadd.s32 s3, s9;
	s6 =	sadd.s32 @!p0 $0x88, s6;
	s7 =	simm.s32 @p2 $0x1082  }
0x22: {  	[simem:s7], [sflag:s8] =	dma.local @!p0 [hbm:s6], $0xF7A  }
0x23: {  	s9 =	sor.u32 $0xD0000000, s2;
	s6 =	simm.s32 $0x108;
	_ =	swait.ge @!p0 [sflag:s8], $0x0  }
0x24: {  	s3 =	sadd.s32 $0x88, s3;
	s6 =	simm.s32 @!p1 $0x1082;
	[sflag:s4] =	ssyncset.s32 $0xFFFFF086  }
0x25: {  	[simem:s6], [sflag:s4] =	dma.local [hbm:s3], $0xF7A  }
0x26: {  	[smem:$0x3F9F] =	sst s1;
	(tag) =	ssettag s2;
	_ =	strace s9  }
0x27: {  	s1 =	sld [smem:$0x3FAF]  }
0x28: {  	s2 =	sld [smem:$0x3FB0]  }
0x29: {  	s4 =	sld [smem:$0x3FB2]  }
0x2a: {  	p0 =	seq.s32 s5, $0x0;
	s5 =	sld [smem:$0x3FB3]  }
0x2b: {  	s6 =	sld [smem:$0x3FB4]  }
0x2c: {  	s7 =	sld [smem:$0x3FB5]  }
0x2d: {  	s3 =	simm.s32 $0x108;
	s8 =	sld [smem:$0x3FB6]  }
0x2e: {  	s3 =	simm.s32 @!p0 $0x1082;
	s9 =	sld [smem:$0x3FB7]  }
0x2f: {  	lr =	sadd.s32 s0, s3;
	s0 =	sld [smem:$0x3FAE]  }
0x30: {  	s3 =	sld [smem:$0x3FB1]  }
0x31: {  	[smem:$0x3FBA] =	sst s10  }
0x32: {  	s10 =	sld [smem:$0x3FB8];
	_ =	sdelay $0x3  }
0x33: {  	p0 =	seq.s32 s10, $0x1;
	s10 =	sld [smem:$0x3FBA];
	_ =	sdelay $0x3  }
0x34: {  	[smem:$0x3FBA] =	sst s10  }
0x35: {  	s10 =	sld [smem:$0x3FB9];
	_ =	sdelay $0x3  }
0x36: {  	p1 =	seq.s32 s10, $0x1;
	s10 =	sld [smem:$0x3FBA];
	_ =	sdelay $0x3  }
0x37: {  	[smem:$0x3FBA] =	sst s10  }
0x38: {  	s10 =	sld [smem:$0x3FBB]  }
0x39: {  	_ = 	snop;
	(pc) =	sbr.ind lr, $3  }
0x3a: {  	_ = 	snop  }
0x3b: {  	_ = 	snop  }
0x3c: {  	p2 =	seq.s32 s10, $0x1;
	s10 =	sld [smem:$0x3FBA]  }
0x3d: {  	_ =	shalt  }
0x3e: {  	_ =	shalt  }
0x3f: {  	_ =	shalt  }
0x40: {  	_ =	shalt  }
0x41: {  	_ =	shalt  }
0x42: {  	_ =	shalt  }
0x43: {  	_ =	shalt  }
0x44: {  	_ =	shalt  }
0x45: {  	_ =	shalt  }
0x46: {  	_ =	shalt  }
0x47: {  	_ =	shalt  }
0x48: {  	_ =	shalt  }
0x49: {  	_ =	shalt  }
0x4a: {  	_ =	shalt  }
0x4b: {  	_ =	shalt  }
0x4c: {  	_ =	shalt  }
0x4d: {  	_ =	shalt  }
0x4e: {  	_ =	shalt  }
0x4f: {  	_ =	shalt  }
0x50: {  	_ =	shalt  }
0x51: {  	_ =	shalt  }
0x52: {  	_ =	shalt  }
0x53: {  	_ =	shalt  }
0x54: {  	_ =	shalt  }
0x55: {  	_ =	shalt  }
0x56: {  	_ =	shalt  }
0x57: {  	_ =	shalt  }
0x58: {  	_ =	shalt  }
0x59: {  	_ =	shalt  }
0x5a: {  	_ =	shalt  }
0x5b: {  	_ =	shalt  }
0x5c: {  	_ =	shalt  }
0x5d: {  	_ =	shalt  }
0x5e: {  	_ =	shalt  }
0x5f: {  	_ =	shalt  }
0x60: {  	_ =	shalt  }
0x61: {  	_ =	shalt  }
0x62: {  	_ =	shalt  }
0x63: {  	_ =	shalt  }
0x64: {  	_ =	shalt  }
0x65: {  	_ =	shalt  }
0x66: {  	_ =	shalt  }
0x67: {  	_ =	shalt  }
0x68: {  	_ =	shalt  }
0x69: {  	_ =	shalt  }
0x6a: {  	_ =	shalt  }
0x6b: {  	_ =	shalt  }
0x6c: {  	_ =	shalt  }
0x6d: {  	_ =	shalt  }
0x6e: {  	_ =	shalt  }
0x6f: {  	_ =	shalt  }
0x70: {  	_ =	shalt  }
0x71: {  	_ =	shalt  }
0x72: {  	_ =	shalt  }
0x73: {  	_ =	shalt  }
0x74: {  	_ =	shalt  }
0x75: {  	_ =	shalt  }
0x76: {  	_ =	shalt  }
0x77: {  	_ =	shalt  }
0x78: {  	_ =	shalt  }
0x79: {  	_ =	shalt  }
0x7a: {  	_ =	shalt  }
0x7b: {  	_ =	shalt  }
0x7c: {  	_ =	shalt  }
0x7d: {  	_ =	shalt  }
0x7e: {  	_ =	shalt  }
0x7f: {  	_ =	shalt  }
0x80: {  	_ =	shalt  }
0x81: {  	_ =	shalt  }
0x82: {  	_ =	shalt  }
0x83: {  	_ =	shalt  }
0x84: {  	_ =	shalt  }
0x85: {  	_ =	shalt  }
0x86: {  	_ =	shalt  }
0x87: {  	_ =	shalt  }
.Lfunc_end0:
.L_simem_size_0:
called_computation_lowered:
.L_overlay_start_0:
0x88: {  	s2 =	sld [smem:$0x3FD9]  }
0x89: {  	s3 =	sld [smem:$0x3FFE];
	_ =	sdelay $0x1  }
0x8a: {  	s1 =	srdreg.scid  }
0x8b: {  	s0 =	sand.u32 $0x1, s1  }
0x8c: {  	s18 =	sshll.u32 s0, $0xA;
	s2 =	sadd.s32 s3, s2  }
0x8d: {  	s2 =	sadd.s32 s2, s18  }
0x8e: {  	[smem:$0x3FC6] =	sst s2  }
0x8f: {  	_ = 	snop  }
0x90: {  	s2 =	sld [smem:$0x3FC9]  }
0x91: {  	s19 =	sld [smem:$0x3FC8]  }
0x92: {  	s4 =	sld [smem:$0x3FD0];
	(tm) =	ssettm $0x1  }
0x93: {  	s5 =	sld [smem:$0x3FFB];
	_ =	sdelay $0x3  }
0x94: {  	_ =	strace s5  }
0x95: {  	s5 =	sld [smem:$0x3FFC];
	_ =	sdelay $0x3  }
0x96: {  	_ =	strace s5  }
0x97: {  	s5 =	sld [smem:$0x3FFD];
	_ =	sdelay $0x3  }
0x98: {  	_ =	strace s5  }
0x99: {  	_ =	strace $0x8FFFFFFF  }
0x9a: {  	s20 =	sld [smem:$0x3FDB];
	_ =	sdelay $0x1  }
0x9b: {  	s6 =	simm.s32 $_scs_section_size  }
0x9c: {  	s7 =	simm.s32 $_size__tile_overlayer_lowered;
	s8 =	simm.s32 $_tile_overlayer_lowered  }
0x9d: {  	s23 =	simm.s32 $0x1BFF;
	s22 =	sshll.u32 s8, $0x1;
	s5 =	sadd.s32 s6, s20  }
0x9e: {  	s9 =	simm.s32 $0x0;
	s21 =	sshll.u32 s7, $0x1;
	s7 =	sadd.s32 s22, s5  }
0x9f: {  	[timem:s9], [sflag:s23] =	dma.local [hbm:s7], s21  }
0xa0: {  	_ =	swait.ge [sflag:s23], s21  }
0xa1: {  	s6 =	ssub.s32 $0x0, s21;
	[sflag:s23] =	ssyncset.done $0x0  }
0xa2: {  	[sflag:s23] =	ssyncadd.s32 s6;
	_ =	sdelay $0x1  }
0xa3: {  	s24 =	simm.s32 $0x1B8B  }
0xa4: {  	_ =	swait.ge [sflag:s24], $0x1  }
0xa5: {  	[sflag:s24] =	ssyncset.done $0x0  }
0xa6: {  	s25 =	simm.s32 $0x1B8E;
	[sflag:s24] =	ssyncadd.s32 $0xFFFFFFFF  }
0xa7: {  	s26 =	simm.s32 $execute0_lowered;
	[smem:$0x3FD2] =	sst s25  }
0xa8: {  	s6 =	sshll.u32 s26, $0x1;
	_ =	strace $0x80000046;
	[dreg:$0x1] =	wrdreg $0xFFFFFFFF  }
0xa9: {  	s28 =	simm.s32 $_size_execute0_lowered;
	s5 =	sadd.s32 s5, s6;
	[dreg:$0x0] =	wrdreg $0x0  }
0xaa: {  	s6 =	sshll.u32 s28, $0x1;
	[dreg:$0x2] =	wrdreg s5  }
0xab: {  	[dreg:$0x3] =	wrdreg s6  }
0xac: {  	[dreg:$0x4] =	wrdreg $0xC0  }
0xad: {  	_ =	task [dreg:s9], $0x5FFFF  }
0xae: {  	[dreg:$0x1] =	wrdreg $0xFFFFFFFF  }
0xaf: {  	[dreg:$0x0] =	wrdreg $0x60  }
0xb0: {  	[dreg:$0x2] =	wrdreg s19  }
0xb1: {  	[dreg:$0x3] =	wrdreg s2  }
0xb2: {  	[dreg:$0x4] =	wrdreg s4  }
0xb3: {  	[dreg:$0x5] =	wrdreg $0x9  }
0xb4: {  	_ =	task.clear_ibuf [dreg:s9], $0x6FFFF;
	_ =	strace $0x90000046  }
0xb5: {  	s29 =	simm.s32 $0x9;
	_ =	strace $0x80000048  }
0xb6: {  	_ =	swait.ge [sflag:s29], $0x1  }
0xb7: {  	[sflag:s29] =	ssyncadd.s32 $0xFFFFFFFF  }
0xb8: {  	_ =	strace $0x90000048  }
0xb9: {  	_ =	sfence  }
0xba: {  	s30 =	sld [smem:$0x0];
	_ =	sdelay $0x2  }
0xbb: {  	s31 =	sshll.u32 s1, $0xD;
	s1 =	sshrl.u32 s1, $0x2  }
0xbc: {  	s3 =	sand.u32 $0x4000, s31;
	s1 =	sadd.s32 s1, s30  }
0xbd: {  	s0 =	sor.u32 s3, s0;
	s1 =	sshll.u32 s1, $0x11  }
0xbe: {  	s0 =	sor.u32 s1, s0  }
0xbf: {  	s0 =	sadd.s32 $0x8F2B, s0  }
0xc0: {  	[sflag:s0] =	ssyncadd.remote.s32 $0x1  }
0xc1: {  	_ =	sfence.sel $0xFFFF  }
0xc2: {  	[dreg:$0x0] =	wrdreg $0xFFFFFFFF;
	(pc) =	sbr.abs _section_cstart, $3  }
0xc3: {  	[dreg:$0x1] =	wrdreg $0xFFFFFFFF  }
0xc4: {  	_ =	task.clear_ibuf [dreg:s9], $0x2FFFF;
	_ =	strace $0x9FFFFFFF  }
0xc5: {  	(tm) =	ssettm $0x7FFFFFFF  }
tec
execute0_lowered:
.L_overlay_start_1:
0x0: {  	(tag) =	ssettag $0x1  }
0x1: {  	s0 =	srdreg.scid;
	s3 =	rddreg [dreg:$0x1]  }
0x2: {  	s10 =	stileid.u32;
	s5 =	rddreg [dreg:$0x2]  }
0x3: {  	s4 =	simm.s32 $0x0;
	s11 =	simm.s32 $0x3900;
	s1 =	smul.u32 $0x2A0000, s10  }
0x4: {  	s12 =	simm.s32 $0x7100;
	s13 =	simm.s32 $0xA900;
	s17 =	smul.u32 $0x30, s10  }
0x5: {  	s14 =	simm.s32 $0xE100;
	s0 =	sand.u32 $0x1, s0;
	s10 =	smul.u32 $0x54000, s10  }
0x6: {  	s15 =	simm.s32 $0x11900;
	s31 =	simm.s32 $0xD;
	s2 =	smul.u32 $0x150000, s0  }
0x7: {  	[smem:$0x7FF] =	sst s4;
	s16 =	ssub.s32 $0x2, s0;
	s8 =	smul.u32 $0x18, s0  }
0x8: {  	_ =	strace $0x80000047;
	s0 =	smul.u32 $0x2A000, s0;
	s7 =	sshrl.u32 s16, $0x1  }
0x9: {  	s20 =	sadd.s32 s10, s5;
	s10 =	simm.s32 $0x100;
	s1 =	sadd.s32 s2, s1  }
0xa: {  	s2 =	ssub.s32 s16, s7;
	s0 =	sadd.s32 s0, s20;
	s26 =	sadd.s32 s8, s17  }
0xb: {  	s16 =	simm.s32 $0x15100;
	s17 =	simm.s32 $0x18900;
	s20 =	simm.s32 $0x3  }
0xc: {  	s6 =	sadd.s32 $0x18800, s1;
	s18 =	sadd.s32 $0x15000, s1;
	s9 =	sadd.s32 $0x11800, s1  }
0xd: {  	s21 =	sor.u32 $0xA800, s1;
	s0 =	sadd.s32 $0x1C00, s0;
	s22 =	sor.u32 $0x7000, s1  }
0xe: {  	s1 =	sshrl.u32 s1, $0x3;
	s29 =	smax.u32 s2, $0x1;
	[dreg:$0xb] =	wrdreg s26  }
0xf: {  	s30 =	sor.u32 $0x1, s26;
	s2 =	simm.s32 $0x10;
	[dreg:$0x7] =	wrdreg s0  }
0x10: {  	s6 =	sshrl.u32 s6, $0x3;
	s9 =	sshrl.u32 s9, $0x3;
	[dreg:$0xc] =	wrdreg s29  }
0x11: {  	s24 =	sshrl.u32 s22, $0x3;
	s28 =	sadd.s32 s1, s5;
	[dreg:$0xd] =	wrdreg s30  }
0x12: {  	s22 =	simm.s32 $0x5;
	s1 =	simm.s32 $0xE;
	s0 =	simm.s32 $0xF  }
0x13: {  	s6 =	sadd.s32 s6, s5;
	s19 =	sadd.s32 s9, s5;
	[dreg:$0xa] =	wrdreg s28  }
0x14: {  	s25 =	sadd.s32 s24, s5;
	s9 =	simm.s32 $0x80;
	[dreg:$0x4] =	wrdreg s6  }
0x15: {  	s24 =	simm.s32 $0x7;
	s6 =	sshrl.u32 s18, $0x3;
	[dreg:$0x6] =	wrdreg s19  }
0x16: {  	[dreg:$0x9] =	wrdreg s25;
	s18 =	simm.s32 $0x1;
	s6 =	sadd.s32 s6, s5  }
0x17: {  	v0 =	vlaneseq.u32;
	s19 =	simm.s32 $0x2;
	[dreg:$0x5] =	wrdreg s6;
	s6 =	sshrl.u32 s21, $0x3  }
0x18: {  	v1 =	vimm.s32 $0x0;
	v2 =	vor.u32 $0x10, v0;
	v3 =	vor.u32 $0x20, v0;
	s25 =	simm.s32 $0x8;
	s21 =	simm.s32 $0x4;
	s23 =	sadd.s32 s6, s5  }
0x19: {  	v4 =	vor.u32 $0x30, v0;
	v5 =	vor.u32 $0x40, v0;
	v6 =	vor.u32 $0x50, v0;
	s6 =	simm.s32 $0x0;
	[dreg:$0x8] =	wrdreg s23;
	s23 =	simm.s32 $0x6  }
.LBB2_1:
0x1a: {  	s5 =	rddreg [dreg:$0x0];
	s30 =	simm.s32 $0x11  }
0x1b: {  	[tilespmem:s4], [sflag:$0x11] =	stream.linear.gather [hbm4b:s5+s4], $0x80, $0x38;
	[tilespmem:$0x1C100] =	vst v63  }
0x1c: {  	_ =	swait.ge [sflag:s30], $0x80  }
0x1d: {  	[sflag:s30] =	ssyncset.done $0x0  }
0x1e: {  	[sflag:s30] =	ssyncadd.s32 $0xFFFFFF80  }
0x1f: {  	v7 =	vld [tilespmem:$0x0];
	_ =	sdelay $0x4  }
0x20: {  	vm0 =	vlt.f32 v7, $0.0e+00;
	vm1 =	vgt.f32 v7, $0.0e+00  }
0x21: {  	vm0 =	vmor vm1, vm0  }
0x22: {  	v7 =	vsel vm0, $0x1, v1  }
0x23: {  	(xrf0) =	vadd.scan.msk.s32 $0xffff, v7;
	_ =	sdelay $0x5  }
0x24: {  	[tilespmem:$0x80] =	vst v1;
	v7, _, _ =	vpop (xrf0)  }
0x25: {  	[tilespmem:$0x90] =	vst v1;
	v7 =	vadd.s32 $0xFFFFFFFF, v7  }
0x26: {  	[tilespmem:$0xA0] =	vst v1  }
0x27: {  	[tilespmem:$0xB0] =	vst v1  }
0x28: {  	[tilespmem:$0xC0] =	vst v1  }
0x29: {  	[tilespmem:$0xD0] =	vst v1  }
0x2a: {  	[tilespmem:v7+s9+$0x0] =	vst.idx.msk vm0, v0  }
0x2b: {  	v8 =	vld [tilespmem:$0x10];
	_ =	sdelay $0x4  }
0x2c: {  	vm6 =	vlt.f32 v8, $0.0e+00;
	vm7 =	vgt.f32 v8, $0.0e+00  }
0x2d: {  	vm0 =	vmor vm7, vm6  }
0x2e: {  	v8 =	vsel vm0, $0x1, v1  }
0x2f: {  	(xrf0) =	vadd.scan.msk.s32 $0xffff, v8;
	_ =	sdelay $0x4  }
0x30: {  	v8 =	vbroadcast v7, $0xF  }
0x31: {  	v9, _, _ =	vpop (xrf0)  }
0x32: {  	v8 =	vadd.s32 v9, v8;
	_ =	sdelay $0x4  }
0x33: {  	[tilespmem:v8+s9+$0x0] =	vst.idx.msk vm0, v2  }
0x34: {  	v8 =	vld [tilespmem:$0x20];
	_ =	sdelay $0x4  }
0x35: {  	vm8 =	vlt.f32 v8, $0.0e+00;
	vm9 =	vgt.f32 v8, $0.0e+00  }
0x36: {  	vm0 =	vmor vm9, vm8  }
0x37: {  	v8 =	vsel vm0, $0x1, v1  }
0x38: {  	(xrf0) =	vadd.scan.msk.s32 $0xffff, v8;
	_ =	sdelay $0x3  }
0x39: {  	v7 =	vadd.s32 v9, v7  }
0x3a: {  	v8 =	vbroadcast v7, $0xF  }
0x3b: {  	v61, _, _ =	vpop (xrf0)  }
0x3c: {  	v8 =	vadd.s32 v61, v8;
	_ =	sdelay $0x4  }
0x3d: {  	[tilespmem:v8+s9+$0x0] =	vst.idx.msk vm0, v3  }
0x3e: {  	v8 =	vld [tilespmem:$0x30];
	_ =	sdelay $0x4  }
0x3f: {  	vm10 =	vlt.f32 v8, $0.0e+00;
	vm11 =	vgt.f32 v8, $0.0e+00  }
0x40: {  	vm0 =	vmor vm11, vm10  }
0x41: {  	v8 =	vsel vm0, $0x1, v1  }
0x42: {  	(xrf0) =	vadd.scan.msk.s32 $0xffff, v8;
	_ =	sdelay $0x3  }
0x43: {  	v7 =	vadd.s32 v61, v7  }
0x44: {  	v8 =	vbroadcast v7, $0xF  }
0x45: {  	v62, _, _ =	vpop (xrf0)  }
0x46: {  	v8 =	vadd.s32 v62, v8;
	_ =	sdelay $0x4  }
0x47: {  	[tilespmem:v8+s9+$0x0] =	vst.idx.msk vm0, v4  }
0x48: {  	v8 =	vld [tilespmem:$0x40];
	_ =	sdelay $0x4  }
0x49: {  	vm12 =	vlt.f32 v8, $0.0e+00;
	vm13 =	vgt.f32 v8, $0.0e+00  }
0x4a: {  	vm0 =	vmor vm13, vm12  }
0x4b: {  	v8 =	vsel vm0, $0x1, v1  }
0x4c: {  	(xrf0) =	vadd.scan.msk.s32 $0xffff, v8;
	_ =	sdelay $0x3  }
0x4d: {  	v7 =	vadd.s32 v62, v7  }
0x4e: {  	v8 =	vbroadcast v7, $0xF  }
0x4f: {  	v63, _, _ =	vpop (xrf0)  }
0x50: {  	v8 =	vadd.s32 v63, v8;
	_ =	sdelay $0x4  }
0x51: {  	[tilespmem:v8+s9+$0x0] =	vst.idx.msk vm0, v5  }
0x52: {  	v8 =	vld [tilespmem:$0x50];
	_ =	sdelay $0x4  }
0x53: {  	vm14 =	vlt.f32 v8, $0.0e+00;
	vm15 =	vgt.f32 v8, $0.0e+00  }
0x54: {  	vm0 =	vmor vm15, vm14  }
0x55: {  	v8 =	vsel vm0, $0x1, v1  }
0x56: {  	(xrf0) =	vadd.scan.msk.s32 $0xffff, v8;
	_ =	sdelay $0x3  }
0x57: {  	v7 =	vadd.s32 v63, v7  }
0x58: {  	v7 =	vbroadcast v7, $0xF  }
0x59: {  	v8, _, _ =	vpop (xrf0)  }
0x5a: {  	v7 =	vadd.s32 v8, v7;
	_ =	sdelay $0x3  }
0x5b: {  	s7 =	rddreg [dreg:$0xd]  }
0x5c: {  	s8 =	simm.s32 $0x0;
	s5 =	rddreg [dreg:$0xb];
	[tilespmem:v7+s9+$0x0] =	vst.idx.msk vm0, v6  }
.LBB2_2:
0x5d: {  	s26 =	smulhi.u32 $0xAAAAAAAB, s5;
	_ =	sdelay $0x1  }
0x5e: {  	s26 =	sshrl.u32 s26, $0x6  }
0x5f: {  	s28 =	smul.u32 $0x60, s26;
	_ =	sdelay $0x1  }
0x60: {  	s28 =	ssub.s32 s5, s28  }
0x61: {  	v7 =	vmov s28  }
0x62: {  	v8 =	vand.u32 $0xFFFFFFFE, v7  }
0x63: {  	v8 =	vbroadcast v8, $0x0;
	_ =	sdelay $0x5  }
0x64: {  	v8 =	vld.idx.msk [tilespmem:v8+s9+$0x0], $0xffff;
	_ =	sdelay $0x4  }
0x65: {  	v8 =	vxor.u32 $0x80000000, v8  }
0x66: {  	(xrf0) =	vmax.scan.msk.u32 $0xffff, v8;
	_ =	sdelay $0x5  }
0x67: {  	v8, _, _ =	vpop (xrf0)  }
0x68: {  	(v2sf) =	vpush v8, $0xF;
	_ =	sdelay $0xe  }
0x69: {  	s30 =	spop (v2sf)  }
0x6a: {  	s26 =	smul.u32 $0x540000, s26;
	s28 =	sxor.u32 $0x80000000, s30  }
0x6b: {  	p0 =	seq.s32 s8, $0x0;
	v7 =	vbroadcast v7, $0x0;
	s28 =	smul.u32 $0xE000, s28  }
0x6c: {  	s29 =	simm.s32 @!p0 $0x9  }
0x6d: {  	_ =	swait.ge @!p0 [sflag:s29], $0x3800;
	s28 =	sadd.s32 s26, s28  }
0x6e: {  	[sflag:s29] =	ssyncset.done @!p0 $0x0;
	s28 =	sshrl.u32 s28, $0x3  }
0x6f: {  	[sflag:s29] =	ssyncadd.s32 @!p0 $0xFFFFC800;
	s28 =	sadd.s32 s3, s28  }
0x70: {  	[tilespmem:s10], [sflag:$0x1] =	stream.linear.gather [hbm4b:s28+s4], $0x3800, $0x38;
	[tilespmem:$0x1C100] =	vst v63  }
0x71: {  	v8 =	vld.idx.msk [tilespmem:v7+s9+$0x0], $0xffff;
	_ =	sdelay $0x4  }
0x72: {  	v8 =	vxor.u32 $0x80000000, v8  }
0x73: {  	(xrf0) =	vmax.scan.msk.u32 $0xffff, v8;
	_ =	sdelay $0x5  }
0x74: {  	v8, _, _ =	vpop (xrf0)  }
0x75: {  	(v2sf) =	vpush v8, $0xF;
	_ =	sdelay $0xe  }
0x76: {  	s29 =	spop (v2sf)  }
0x77: {  	s28 =	sxor.u32 $0x80000000, s29  }
0x78: {  	s28 =	smul.u32 $0xE000, s28;
	_ =	sdelay $0x1  }
0x79: {  	s29 =	simm.s32 @!p0 $0xA;
	s28 =	sadd.s32 s26, s28  }
0x7a: {  	_ =	swait.ge @!p0 [sflag:s29], $0x3800;
	s28 =	sadd.s32 $0x3800, s28  }
0x7b: {  	[sflag:s29] =	ssyncset.done @!p0 $0x0;
	s28 =	sshrl.u32 s28, $0x3  }
0x7c: {  	[sflag:s29] =	ssyncadd.s32 @!p0 $0xFFFFC800;
	s28 =	sadd.s32 s3, s28  }
0x7d: {  	[tilespmem:s11], [sflag:$0x2] =	stream.linear.gather [hbm4b:s28+s4], $0x3800, $0x38;
	[tilespmem:$0x1C100] =	vst v63  }
0x7e: {  	v8 =	vld.idx.msk [tilespmem:v7+s9+$0x0], $0xffff;
	_ =	sdelay $0x4  }
0x7f: {  	v8 =	vxor.u32 $0x80000000, v8  }
0x80: {  	(xrf0) =	vmax.scan.msk.u32 $0xffff, v8;
	_ =	sdelay $0x5  }
0x81: {  	v8, _, _ =	vpop (xrf0)  }
0x82: {  	(v2sf) =	vpush v8, $0xF;
	_ =	sdelay $0xe  }
0x83: {  	s30 =	spop (v2sf)  }
0x84: {  	s28 =	sxor.u32 $0x80000000, s30  }
0x85: {  	s28 =	smul.u32 $0xE000, s28;
	_ =	sdelay $0x1  }
0x86: {  	s29 =	simm.s32 @!p0 $0xB;
	s28 =	sadd.s32 s26, s28  }
0x87: {  	_ =	swait.ge @!p0 [sflag:s29], $0x3800;
	s28 =	sadd.s32 $0x7000, s28  }
0x88: {  	[sflag:s29] =	ssyncset.done @!p0 $0x0;
	s28 =	sshrl.u32 s28, $0x3  }
0x89: {  	[sflag:s29] =	ssyncadd.s32 @!p0 $0xFFFFC800;
	s28 =	sadd.s32 s3, s28  }
0x8a: {  	[tilespmem:s12], [sflag:$0x3] =	stream.linear.gather [hbm4b:s28+s4], $0x3800, $0x38;
	[tilespmem:$0x1C100] =	vst v63  }
0x8b: {  	v7 =	vld.idx.msk [tilespmem:v7+s9+$0x0], $0xffff;
	_ =	sdelay $0x4  }
0x8c: {  	v7 =	vxor.u32 $0x80000000, v7  }
0x8d: {  	(xrf0) =	vmax.scan.msk.u32 $0xffff, v7;
	_ =	sdelay $0x5  }
0x8e: {  	v7, _, _ =	vpop (xrf0)  }
0x8f: {  	(v2sf) =	vpush v7, $0xF;
	_ =	sdelay $0xc  }
0x90: {  	s29 =	smulhi.u32 $0xAAAAAAAB, s7;
	_ =	sdelay $0x1  }
0x91: {  	s28 =	sshrl.u32 s29, $0x6;
	s30 =	spop (v2sf)  }
0x92: {  	s28 =	smul.u32 $0x60, s28;
	s29 =	sxor.u32 $0x80000000, s30  }
0x93: {  	s29 =	smul.u32 $0xE000, s29  }
0x94: {  	s28 =	ssub.s32 s7, s28  }
0x95: {  	v7 =	vmov s28;
	s30 =	simm.s32 @!p0 $0xC;
	s26 =	sadd.s32 s26, s29  }
0x96: {  	_ =	swait.ge @!p0 [sflag:s30], $0x3800;
	s26 =	sadd.s32 $0xA800, s26  }
0x97: {  	[sflag:s30] =	ssyncset.done @!p0 $0x0;
	s26 =	sshrl.u32 s26, $0x3  }
0x98: {  	[sflag:s30] =	ssyncadd.s32 @!p0 $0xFFFFC800;
	s26 =	sadd.s32 s3, s26  }
0x99: {  	[tilespmem:s13], [sflag:$0x4] =	stream.linear.gather [hbm4b:s26+s4], $0x3800, $0x38;
	[tilespmem:$0x1C100] =	vst v63  }
0x9a: {  	v8 =	vld.idx.msk [tilespmem:v7+s9+$0x0], $0xffff;
	_ =	sdelay $0x4  }
0x9b: {  	v8 =	vxor.u32 $0x80000000, v8  }
0x9c: {  	(xrf0) =	vmax.scan.msk.u32 $0xffff, v8;
	_ =	sdelay $0x5  }
0x9d: {  	v8, _, _ =	vpop (xrf0)  }
0x9e: {  	(v2sf) =	vpush v8, $0xF;
	_ =	sdelay $0xb  }
0x9f: {  	s29 =	sadd.s32 $0x1, s5  }
0xa0: {  	s26 =	smulhi.u32 $0xAAAAAAAB, s29;
	_ =	sdelay $0x1  }
0xa1: {  	s26 =	sshrl.u32 s26, $0x6;
	s30 =	spop (v2sf)  }
0xa2: {  	s26 =	smul.u32 $0x540000, s26;
	s28 =	sxor.u32 $0x80000000, s30  }
0xa3: {  	s28 =	smul.u32 $0xE000, s28  }
0xa4: {  	s29 =	simm.s32 @!p0 $0xD  }
0xa5: {  	_ =	swait.ge @!p0 [sflag:s29], $0x3800;
	s28 =	sadd.s32 s26, s28  }
0xa6: {  	[sflag:s29] =	ssyncset.done @!p0 $0x0;
	s28 =	sshrl.u32 s28, $0x3  }
0xa7: {  	[sflag:s29] =	ssyncadd.s32 @!p0 $0xFFFFC800;
	s28 =	sadd.s32 s3, s28  }
0xa8: {  	[tilespmem:s14], [sflag:$0x5] =	stream.linear.gather [hbm4b:s28+s4], $0x3800, $0x38;
	[tilespmem:$0x1C100] =	vst v63  }
0xa9: {  	v8 =	vld.idx.msk [tilespmem:v7+s9+$0x0], $0xffff;
	_ =	sdelay $0x4  }
0xaa: {  	v8 =	vxor.u32 $0x80000000, v8  }
0xab: {  	(xrf0) =	vmax.scan.msk.u32 $0xffff, v8;
	_ =	sdelay $0x5  }
0xac: {  	v8, _, _ =	vpop (xrf0)  }
0xad: {  	(v2sf) =	vpush v8, $0xF;
	_ =	sdelay $0xe  }
0xae: {  	s29 =	spop (v2sf)  }
0xaf: {  	s28 =	sxor.u32 $0x80000000, s29  }
0xb0: {  	s28 =	smul.u32 $0xE000, s28;
	_ =	sdelay $0x1  }
0xb1: {  	s29 =	simm.s32 @!p0 $0xE;
	s28 =	sadd.s32 s26, s28  }
0xb2: {  	_ =	swait.ge @!p0 [sflag:s29], $0x3800;
	s28 =	sadd.s32 $0x3800, s28  }
0xb3: {  	[sflag:s29] =	ssyncset.done @!p0 $0x0;
	s28 =	sshrl.u32 s28, $0x3  }
0xb4: {  	[sflag:s29] =	ssyncadd.s32 @!p0 $0xFFFFC800;
	s28 =	sadd.s32 s3, s28  }
0xb5: {  	[tilespmem:s15], [sflag:$0x6] =	stream.linear.gather [hbm4b:s28+s4], $0x3800, $0x38;
	[tilespmem:$0x1C100] =	vst v63  }
0xb6: {  	v8 =	vld.idx.msk [tilespmem:v7+s9+$0x0], $0xffff;
	_ =	sdelay $0x4  }
0xb7: {  	v8 =	vxor.u32 $0x80000000, v8  }
0xb8: {  	(xrf0) =	vmax.scan.msk.u32 $0xffff, v8;
	_ =	sdelay $0x5  }
0xb9: {  	v8, _, _ =	vpop (xrf0)  }
0xba: {  	(v2sf) =	vpush v8, $0xF;
	_ =	sdelay $0xe  }
0xbb: {  	s30 =	spop (v2sf)  }
0xbc: {  	s28 =	sxor.u32 $0x80000000, s30  }
0xbd: {  	s28 =	smul.u32 $0xE000, s28;
	_ =	sdelay $0x1  }
0xbe: {  	s29 =	simm.s32 @!p0 $0xF;
	s28 =	sadd.s32 s26, s28  }
0xbf: {  	_ =	swait.ge @!p0 [sflag:s29], $0x3800;
	s28 =	sadd.s32 $0x7000, s28  }
0xc0: {  	[sflag:s29] =	ssyncset.done @!p0 $0x0;
	s28 =	sshrl.u32 s28, $0x3  }
0xc1: {  	[sflag:s29] =	ssyncadd.s32 @!p0 $0xFFFFC800;
	s28 =	sadd.s32 s3, s28  }
0xc2: {  	[tilespmem:s16], [sflag:$0x7] =	stream.linear.gather [hbm4b:s28+s4], $0x3800, $0x38;
	[tilespmem:$0x1C100] =	vst v63  }
0xc3: {  	v7 =	vld.idx.msk [tilespmem:v7+s9+$0x0], $0xffff;
	_ =	sdelay $0x4  }
0xc4: {  	v7 =	vxor.u32 $0x80000000, v7  }
0xc5: {  	(xrf0) =	vmax.scan.msk.u32 $0xffff, v7;
	_ =	sdelay $0x5  }
0xc6: {  	v7, _, _ =	vpop (xrf0)  }
0xc7: {  	(v2sf) =	vpush v7, $0xF;
	_ =	sdelay $0xe  }
0xc8: {  	s29 =	spop (v2sf)  }
0xc9: {  	s28 =	sxor.u32 $0x80000000, s29  }
0xca: {  	s28 =	smul.u32 $0xE000, s28;
	_ =	sdelay $0x1  }
0xcb: {  	s29 =	simm.s32 @!p0 $0x10;
	s26 =	sadd.s32 s26, s28  }
0xcc: {  	_ =	swait.ge @!p0 [sflag:s29], $0x3800;
	s26 =	sadd.s32 $0xA800, s26  }
0xcd: {  	[sflag:s29] =	ssyncset.done @!p0 $0x0;
	s26 =	sshrl.u32 s26, $0x3  }
0xce: {  	[sflag:s29] =	ssyncadd.s32 @!p0 $0xFFFFC800;
	s26 =	sadd.s32 s3, s26  }
0xcf: {  	[tilespmem:s17], [sflag:$0x8] =	stream.linear.gather [hbm4b:s26+s4], $0x3800, $0x38;
	[tilespmem:$0x1C100] =	vst v63  }
0xd0: {  	_ =	swait.ge [sflag:s18], $0x3800  }
0xd1: {  	s30 =	rddreg [dreg:$0xa];
	[sflag:s18] =	ssyncset.done $0x0  }
0xd2: {  	[sflag:s18] =	ssyncadd.s32 $0xFFFFC800;
	s26 =	sadd.s32 s8, s30  }
0xd3: {  	[hbm4b:s26+s4] =	stream.linear.scatter [tilespmem:s10], [sflag:$0x9], $0x3800, $0x38;
	[tilespmem:$0x1C100] =	vst v63  }
0xd4: {  	_ =	swait.ge [sflag:s19], $0x3800  }
0xd5: {  	[sflag:s19] =	ssyncset.done $0x0  }
0xd6: {  	s26 =	sadd.s32 $0x700, s26;
	[sflag:s19] =	ssyncadd.s32 $0xFFFFC800  }
0xd7: {  	[hbm4b:s26+s4] =	stream.linear.scatter [tilespmem:s11], [sflag:$0xA], $0x3800, $0x38;
	[tilespmem:$0x1C100] =	vst v63  }
0xd8: {  	_ =	swait.ge [sflag:s20], $0x3800  }
0xd9: {  	s28 =	rddreg [dreg:$0x9];
	[sflag:s20] =	ssyncset.done $0x0  }
0xda: {  	[sflag:s20] =	ssyncadd.s32 $0xFFFFC800;
	s26 =	sadd.s32 s8, s28  }
0xdb: {  	[hbm4b:s26+s4] =	stream.linear.scatter [tilespmem:s12], [sflag:$0xB], $0x3800, $0x38;
	[tilespmem:$0x1C100] =	vst v63  }
0xdc: {  	_ =	swait.ge [sflag:s21], $0x3800  }
0xdd: {  	s29 =	rddreg [dreg:$0x8];
	[sflag:s21] =	ssyncset.done $0x0  }
0xde: {  	[sflag:s21] =	ssyncadd.s32 $0xFFFFC800;
	s26 =	sadd.s32 s8, s29  }
0xdf: {  	[hbm4b:s26+s4] =	stream.linear.scatter [tilespmem:s13], [sflag:$0xC], $0x3800, $0x38;
	[tilespmem:$0x1C100] =	vst v63  }
0xe0: {  	_ =	swait.ge [sflag:s22], $0x3800  }
0xe1: {  	s30 =	rddreg [dreg:$0x7];
	[sflag:s22] =	ssyncset.done $0x0  }
0xe2: {  	[sflag:s22] =	ssyncadd.s32 $0xFFFFC800;
	s26 =	sadd.s32 s8, s30  }
0xe3: {  	[hbm4b:s26+s4] =	stream.linear.scatter [tilespmem:s14], [sflag:$0xD], $0x3800, $0x38;
	[tilespmem:$0x1C100] =	vst v63  }
0xe4: {  	_ =	swait.ge [sflag:s23], $0x3800  }
0xe5: {  	s28 =	rddreg [dreg:$0x6];
	[sflag:s23] =	ssyncset.done $0x0  }
0xe6: {  	[sflag:s23] =	ssyncadd.s32 $0xFFFFC800;
	s26 =	sadd.s32 s8, s28  }
0xe7: {  	[hbm4b:s26+s4] =	stream.linear.scatter [tilespmem:s15], [sflag:$0xE], $0x3800, $0x38;
	[tilespmem:$0x1C100] =	vst v63  }
0xe8: {  	_ =	swait.ge [sflag:s24], $0x3800  }
0xe9: {  	s29 =	rddreg [dreg:$0x5];
	[sflag:s24] =	ssyncset.done $0x0  }
0xea: {  	[sflag:s24] =	ssyncadd.s32 $0xFFFFC800;
	s26 =	sadd.s32 s8, s29  }
0xeb: {  	[hbm4b:s26+s4] =	stream.linear.scatter [tilespmem:s16], [sflag:$0xF], $0x3800, $0x38;
	[tilespmem:$0x1C100] =	vst v63  }
0xec: {  	_ =	swait.ge [sflag:s25], $0x3800  }
0xed: {  	s30 =	rddreg [dreg:$0x4]  }
0xee: {  	s26 =	sadd.s32 s8, s30;
	s8 =	sadd.s32 $0x3800, s8  }
0xef: {  	p0 =	sne.s32 s8, $0x2A000  }
.Ltmp0:
0xf0: {  	_ = 	snop;
	(pc) =	sbr.rel @p0 .LBB2_2-.Ltmp0, $4  }
0xf1: {  	_ = 	snop  }
0xf2: {  	[sflag:s25] =	ssyncset.done $0x0  }
0xf3: {  	s7 =	sadd.s32 $0x2, s7;
	s5 =	sadd.s32 $0x2, s5;
	[sflag:s25] =	ssyncadd.s32 $0xFFFFC800  }
0xf4: {  	[hbm4b:s26+s4] =	stream.linear.scatter [tilespmem:s17], [sflag:$0x10], $0x3800, $0x38;
	[tilespmem:$0x1C100] =	vst v63  }
0xf5: {  	s5 =	simm.s32 $0x9  }
0xf6: {  	_ =	swait.ge [sflag:s5], $0x3800  }
0xf7: {  	[sflag:s5] =	ssyncset.done $0x0  }
0xf8: {  	s26 =	simm.s32 $0xA;
	[sflag:s5] =	ssyncadd.s32 $0xFFFFC800  }
0xf9: {  	_ =	swait.ge [sflag:s26], $0x3800  }
0xfa: {  	[sflag:s26] =	ssyncset.done $0x0  }
0xfb: {  	s28 =	simm.s32 $0xB;
	[sflag:s26] =	ssyncadd.s32 $0xFFFFC800  }
0xfc: {  	_ =	swait.ge [sflag:s28], $0x3800  }
0xfd: {  	[sflag:s28] =	ssyncset.done $0x0  }
0xfe: {  	s29 =	simm.s32 $0xC;
	[sflag:s28] =	ssyncadd.s32 $0xFFFFC800  }
0xff: {  	_ =	swait.ge [sflag:s29], $0x3800  }
0x100: {  	[sflag:s29] =	ssyncset.done $0x0  }
0x101: {  	[sflag:s29] =	ssyncadd.s32 $0xFFFFC800  }
0x102: {  	_ =	swait.ge [sflag:s31], $0x3800  }
0x103: {  	[sflag:s31] =	ssyncset.done $0x0  }
0x104: {  	[sflag:s31] =	ssyncadd.s32 $0xFFFFC800  }
0x105: {  	_ =	swait.ge [sflag:s1], $0x3800  }
0x106: {  	[sflag:s1] =	ssyncset.done $0x0  }
0x107: {  	[sflag:s1] =	ssyncadd.s32 $0xFFFFC800  }
0x108: {  	_ =	swait.ge [sflag:s0], $0x3800  }
0x109: {  	[sflag:s0] =	ssyncset.done $0x0  }
0x10a: {  	[sflag:s0] =	ssyncadd.s32 $0xFFFFC800  }
0x10b: {  	_ =	swait.ge [sflag:s2], $0x3800  }
0x10c: {  	s6 =	sadd.s32 $0x1, s6;
	s30 =	rddreg [dreg:$0xc]  }
0x10d: {  	p0 =	sne.s32 s6, s30  }
.Ltmp1:
0x10e: {  	_ = 	snop;
	(pc) =	sbr.rel @p0 .LBB2_1-.Ltmp1, $3  }
0x10f: {  	_ =	sdelay $0x1  }
0x110: {  	[sflag:s2] =	ssyncset.done $0x0  }
0x111: {  	[sflag:s2] =	ssyncadd.s32 $0xFFFFC800  }
0x112: {  	_ =	sfence.sel $0x180000  }
0x113: {  	[bflag:$0x0] =	sbarrier.arrive $0xFFFF  }
0x114: {  	_ =	strace $0x90000047  }
0x115: {  	s0 =	stileid.u32;
	[bflag:$0x2] =	sbarrier.arrive $0xFFFF  }
0x116: {  	p0 =	sne.s32 s0, $0x0;
	s0 =	rddreg [dreg:$0x3]  }
0x117: {  	s0 =	sadd.s32 @!p0 $0x100000, s0  }
0x118: {  	[sflag:s0] =	ssyncadd.tile.s32 @!p0 $0x1;
	_ =	shalt  }
.Lfunc_end2:
_tile_overlayer_lowered:
.L_overlay_start_2:
0x119: {  	(tag) =	ssettag $0x2  }
0x11a: {  	s0 =	rddreg [dreg:$0x0];
	s2 =	stileid.u32  }
0x11b: {  	s1 =	rddreg [dreg:$0x1];
	p0 =	sne.s32 s2, $0x0  }
0x11c: {  	s3 =	rddreg [dreg:$0x2];
	[bflag:$0x3] =	sbarrier.arrive $0xFFFF;
	s2 =	simm.s32 @!p0 $0x1C11  }
0x11d: {  	[timem:s3], [sflag:s2] =	dma.local @!p0 [hbm:s0], s1  }
0x11e: {  	s0 =	simm.s32 @!p0 $0x11  }
0x11f: {  	_ =	swait.ge @!p0 [sflag:s0], s1  }
0x120: {  	s1 =	ssub.s32 @!p0 $0x0, s1;
	[sflag:s0] =	ssyncset.done @!p0 $0x0  }
0x121: {  	[sflag:s0] =	ssyncadd.s32 @!p0 s1  }
0x122: {  	[bflag:$0x3] =	sbarrier.arrive $0xFFFF  }
0x123: {  	_ =	shalt  }

</sc_bundles>
